<compile_context>
chip_gen: v7x
topology: tpu7x:2x2x1
jax: 0.10.2.dev20260603
libtpu: 0.0.44.dev20260713+nightly
codegen_flags: <defaults>
</compile_context>

<pallas_src>
import functools

import jax
import jax.numpy as jnp
from jax import lax
from jax.experimental import pallas as pl
from jax.experimental.pallas import tpu as pltpu
from jax.experimental.pallas import tpu_sc as plsc

import numpy as np

TOTAL = 32768
NSEG = 16
NTILES = 16
CHUNK = TOTAL // NTILES
LANES = 16
VREGS = CHUNK // LANES

MINF = np.float32(float("-inf"))
BIG = np.int32(2147483647)


def _body(values_hbm, ps_hbm, out_hbm,
          vals_v, ends_v, starts_sc_v, pub_v, shared_cand, merge_v, out_v,
          sem):
    tid = lax.axis_index("s")
    base = tid * CHUNK

    c1 = pltpu.async_copy(values_hbm.at[pl.ds(base, CHUNK)], vals_v, sem)
    c2 = pltpu.async_copy(ps_hbm, ends_v, sem)
    c2.wait()
    c1.wait()

    lane = lax.iota(jnp.int32, LANES)
    ends_vec = ends_v[...]
    shifted = plsc.load_gather(ends_v, [jnp.maximum(lane - 1, 0)])
    starts_vec = jnp.where(lane == 0, 0, shifted)
    starts_sc_v[...] = starts_vec
    laneoffs = [lane + np.int32(k * LANES) for k in range(8)]

    seg_a = jnp.sum((ends_vec <= base).astype(jnp.int32))
    seg_b = jnp.sum((starts_vec < base + CHUNK).astype(jnp.int32))

    def per_segment(s, carry):
        my_vals, my_idxs = carry
        svec = jnp.full((LANES,), s, jnp.int32)
        lo = plsc.load_gather(starts_sc_v, [svec])[0]
        hi = plsc.load_gather(ends_v, [svec])[0]
        n0 = jnp.clip(lo - base, 0, CHUNK)
        n1 = jnp.clip(hi - base, 0, CHUNK)
        first = jnp.minimum(n0 >> 4, VREGS - 1)
        last = jnp.maximum((n1 - 1) >> 4, 0)

        def masked(i, bv, bi):
            off = i * LANES
            pos = base + off + lane
            v = vals_v[pl.ds(off, LANES)]
            vm = jnp.where((pos >= lo) & (pos < hi), v, MINF)
            upd = vm > bv
            return jnp.where(upd, vm, bv), jnp.where(upd, pos, bi)

        bv = jnp.full((LANES,), MINF, jnp.float32)
        bi = jnp.full((LANES,), BIG, jnp.int32)
        bv, bi = masked(first, bv, bi)

        def comb(a, b):
            av, ai = a
            bv_, bi_ = b
            upd = bv_ > av
            return jnp.maximum(av, bv_), jnp.where(upd, bi_, ai)

        g0 = first + 1
        n_int = jnp.maximum(last - g0, 0)
        ng = n_int >> 3

        def group(g, carry):
            goff = (g0 + g * 8) * LANES
            gp = base + goff
            leaves = [(vals_v[pl.ds(goff + k * LANES, LANES)],
                       gp + laneoffs[k]) for k in range(8)]
            l2 = [comb(leaves[k], leaves[k + 1]) for k in (0, 2, 4, 6)]
            l3 = [comb(l2[0], l2[1]), comb(l2[2], l2[3])]
            return comb(carry, comb(l3[0], l3[1]))

        bv, bi = lax.fori_loop(0, ng, group, (bv, bi))

        def interior(i, carry):
            cv, ci = carry
            off = i * LANES
            v = vals_v[pl.ds(off, LANES)]
            upd = v > cv
            return (jnp.where(upd, v, cv),
                    jnp.where(upd, base + off + lane, ci))

        bv, bi = lax.fori_loop(g0 + ng * 8, last, interior, (bv, bi))
        bv, bi = masked(last, bv, bi)

        mx = jnp.max(bv)
        mi = jnp.min(jnp.where(bv == mx, bi, BIG))
        sel = lane == svec
        return (jnp.where(sel, mx, my_vals),
                jnp.where(sel, mi, my_idxs))

    my_vals = jnp.full((LANES,), MINF, jnp.float32)
    my_idxs = jnp.full((LANES,), BIG, jnp.int32)
    my_vals, my_idxs = lax.fori_loop(
        seg_a, seg_b, per_segment, (my_vals, my_idxs))

    pub_v[pl.ds(0, LANES)] = plsc.bitcast(my_vals, jnp.int32)
    pub_v[pl.ds(LANES, LANES)] = my_idxs
    pltpu.sync_copy(pub_v, shared_cand.at[pl.ds(tid * 2 * LANES, 2 * LANES)])
    plsc.subcore_barrier()

    @pl.when(tid == 0)
    def _merge():
        pltpu.sync_copy(shared_cand, merge_v)
        acc_v = plsc.bitcast(merge_v[pl.ds(0, LANES)], jnp.float32)
        acc_i = merge_v[pl.ds(LANES, LANES)]
        for r in range(1, NTILES):
            row_v = plsc.bitcast(
                merge_v[pl.ds(r * 2 * LANES, LANES)], jnp.float32)
            row_i = merge_v[pl.ds(r * 2 * LANES + LANES, LANES)]
            upd = row_v > acc_v
            acc_v = jnp.where(upd, row_v, acc_v)
            acc_i = jnp.where(upd, row_i, acc_i)
        out_v[...] = jnp.where(ends_vec > starts_vec, acc_i, BIG)
        pltpu.sync_copy(out_v, out_hbm)


@functools.lru_cache(maxsize=1)
def _build():
  return pl.kernel(
    _body,
    out_type=jax.ShapeDtypeStruct((NSEG,), jnp.int32),
    mesh=plsc.VectorSubcoreMesh(
        core_axis_name="c", subcore_axis_name="s",
        num_cores=1, num_subcores=NTILES),
    scratch_types=[
        pltpu.VMEM((CHUNK,), jnp.float32),
        pltpu.VMEM((NSEG,), jnp.int32),
        pltpu.VMEM((NSEG,), jnp.int32),
        pltpu.VMEM((2 * LANES,), jnp.int32),
        pltpu.VMEM_SHARED((NTILES * 2 * LANES,), jnp.int32),
        pltpu.VMEM((NTILES * 2 * LANES,), jnp.int32),
        pltpu.VMEM((NSEG,), jnp.int32),
        pltpu.SemaphoreType.DMA,
    ],
    compiler_params=pltpu.CompilerParams(needs_layout_passes=False),
  )


def kernel(values, prefix_sum):
    ps = prefix_sum.astype(jnp.int32)
    out = _build()(values, ps)
    return out.astype(jnp.int64)

# --- scband reference (transcript-rebuilt; emitter-appended) ---
"""Pipeline reference for scband-jagged-argmax-module-30150670418630 (READ-ONLY COPY).

The authoritative reference and input builder live on the scoring server;
editing this copy changes nothing except your own understanding.
"""

import jax, jax.numpy as jnp
import numpy as np

TOTAL = 32768
B = 16


def setup_inputs(seed: int = 0) -> dict:
    key = jax.random.key(seed)
    k1, k2 = jax.random.split(key)
    values = jax.random.normal(k1, (TOTAL,), dtype=jnp.float32)
    # inclusive prefix sum of segment lengths: strictly increasing-ish cut points, last == TOTAL
    cuts = jnp.sort(jax.random.randint(k2, (B - 1,), 1, TOTAL))
    prefix_sum = jnp.concatenate([cuts, jnp.array([TOTAL])]).astype(jnp.int64)
    return {"values": values, "prefix_sum": prefix_sum}


def reference(values, prefix_sum):
    # JaggedArgmax: for each segment i spanning [prefix_sum[i-1], prefix_sum[i])
    # (with prefix_sum[-1] == len(values)), return the GLOBAL flat index of the
    # max element of that segment (first occurrence on ties).
    total = values.shape[0]
    num_seg = prefix_sum.shape[0]
    pos = jnp.arange(total)
    # segment id for each flat position via searchsorted on inclusive prefix sums
    seg_ids = jnp.searchsorted(prefix_sum, pos, side='right')
    seg_max = jax.ops.segment_max(values, seg_ids, num_segments=num_seg)
    is_max = values == seg_max[seg_ids]
    cand = jnp.where(is_max, pos, total)  # sentinel = total for non-max positions
    argmax_idx = jax.ops.segment_min(cand, seg_ids, num_segments=num_seg)
    return argmax_idx.astype(jnp.int64)

if __name__ == "__main__":
    import jax
    _d = setup_inputs()
    print(jax.jit(kernel)(*tuple(_d.values())))

</pallas_src>

<mosaic_0001>
#map = affine_map<(d0, d1) -> (0)>
module attributes {stable_mosaic.version = 14 : i64} {
  func.func @_body(%arg0: i32, %arg1: i32, %arg2: memref<32768xf32, #tpu.memory_space<hbm>>, %arg3: memref<16xi32, #tpu.memory_space<hbm>>, %arg4: memref<16xi32, #tpu.memory_space<hbm>>, %arg5: memref<2048xf32, #tpu.memory_space<vmem>>, %arg6: memref<16xi32, #tpu.memory_space<vmem>>, %arg7: memref<16xi32, #tpu.memory_space<vmem>>, %arg8: memref<32xi32, #tpu.memory_space<vmem>>, %arg9: memref<512xi32, #tpu.memory_space<vmem_shared>>, %arg10: memref<512xi32, #tpu.memory_space<vmem>>, %arg11: memref<16xi32, #tpu.memory_space<vmem>>, %arg12: memref<!tpu.dma_semaphore, #tpu.memory_space<semaphore_mem>>) attributes {dimension_semantics = [#tpu.dimension_semantics<core_parallel>, #tpu.dimension_semantics<subcore_parallel>], iteration_bounds = array<i64: 1, 16>, scalar_prefetch = 0 : i64, scratch_operands = 8 : i64, tpu.core_type = #tpu.core_type<sc_vector_subcore>, window_params = [{transform_indices = #map}, {transform_indices = #map}, {transform_indices = #map}]} {
    %mul3A = arith.constant 2048 : i32
    %mul3A_0 = arith.muli %arg1, %mul3A : i32
    %dma_start3A = tpu.memref_slice %arg2[%mul3A_0] : memref<32768xf32, #tpu.memory_space<hbm>> -> memref<2048xf32, #tpu.memory_space<hbm>>
    %dma_start3A_1 = tpu.memref_slice %arg2[%mul3A_0] : memref<32768xf32, #tpu.memory_space<hbm>> -> memref<2048xf32, #tpu.memory_space<hbm>>
    tpu.enqueue_dma source(%dma_start3A_1 : memref<2048xf32, #tpu.memory_space<hbm>>) target(%arg5 : memref<2048xf32, #tpu.memory_space<vmem>>) target_semaphore(%arg12 : memref<!tpu.dma_semaphore, #tpu.memory_space<semaphore_mem>>)
    tpu.enqueue_dma source(%arg3 : memref<16xi32, #tpu.memory_space<hbm>>) target(%arg6 : memref<16xi32, #tpu.memory_space<vmem>>) target_semaphore(%arg12 : memref<!tpu.dma_semaphore, #tpu.memory_space<semaphore_mem>>)
    tpu.wait_dma2 semaphore(%arg12 : memref<!tpu.dma_semaphore, #tpu.memory_space<semaphore_mem>>) src(%arg3 : memref<16xi32, #tpu.memory_space<hbm>>) dst(%arg6 : memref<16xi32, #tpu.memory_space<vmem>>)
    %dma_wait3A = tpu.memref_slice %arg2[%mul3A_0] : memref<32768xf32, #tpu.memory_space<hbm>> -> memref<2048xf32, #tpu.memory_space<hbm>>
    %dma_wait3A_2 = tpu.memref_slice %arg2[%mul3A_0] : memref<32768xf32, #tpu.memory_space<hbm>> -> memref<2048xf32, #tpu.memory_space<hbm>>
    tpu.wait_dma2 semaphore(%arg12 : memref<!tpu.dma_semaphore, #tpu.memory_space<semaphore_mem>>) src(%dma_wait3A_2 : memref<2048xf32, #tpu.memory_space<hbm>>) dst(%arg5 : memref<2048xf32, #tpu.memory_space<vmem>>)
    %iota3A = tpu.iota {dimensions = array<i32: 0>} : vector<16xi32>
    %get3A = arith.constant 0 : index
    %get3A_3 = tpu.vector_load %arg6[%get3A] {strides = array<i32>} : memref<16xi32, #tpu.memory_space<vmem>>, vector<16xi32>,
    %sub3A = arith.constant 1 : i32
    %sub3A_4 = vector.broadcast %sub3A : i32 to vector<16xi32>
    %sub3A_5 = arith.subi %iota3A, %sub3A_4 : vector<16xi32>
    %max3A = arith.constant 0 : i32
    %max3A_6 = vector.broadcast %max3A : i32 to vector<16xi32>
    %max3A_7 = arith.maxsi %sub3A_5, %max3A_6 : vector<16xi32>
    %gather3A = tpu.vector_load_idx %arg6[%max3A_7] : memref<16xi32, #tpu.memory_space<vmem>>[vector<16xi32>], vector<16xi32>,
    %eq3A = arith.constant 0 : i32
    %eq3A_8 = vector.broadcast %eq3A : i32 to vector<16xi32>
    %eq3A_9 = arith.cmpi eq, %iota3A, %eq3A_8 : vector<16xi32>
    %jit3A = arith.constant 0 : i32
    %broadcast_in_dim3A = vector.broadcast %jit3A : i32 to vector<16xi32>
    %select_n3A = arith.select %eq3A_9, %broadcast_in_dim3A, %gather3A : vector<16xi1>, vector<16xi32>
    %swap3A = arith.constant 0 : index
    %swap3A_10 = tpu.vector_load %arg7[%swap3A] {strides = array<i32>} : memref<16xi32, #tpu.memory_space<vmem>>, vector<16xi32>,
    tpu.vector_store %arg7[%swap3A], %select_n3A {strides = array<i32>} : memref<16xi32, #tpu.memory_space<vmem>>, vector<16xi32>,
    %add3A = arith.constant 0 : i32
    %add3A_11 = vector.broadcast %add3A : i32 to vector<16xi32>
    %add3A_12 = arith.addi %iota3A, %add3A_11 : vector<16xi32>
    %add3A_13 = arith.constant 16 : i32
    %add3A_14 = vector.broadcast %add3A_13 : i32 to vector<16xi32>
    %add3A_15 = arith.addi %iota3A, %add3A_14 : vector<16xi32>
    %add3A_16 = arith.constant 32 : i32
    %add3A_17 = vector.broadcast %add3A_16 : i32 to vector<16xi32>
    %add3A_18 = arith.addi %iota3A, %add3A_17 : vector<16xi32>
    %add3A_19 = arith.constant 48 : i32
    %add3A_20 = vector.broadcast %add3A_19 : i32 to vector<16xi32>
    %add3A_21 = arith.addi %iota3A, %add3A_20 : vector<16xi32>
    %add3A_22 = arith.constant 64 : i32
    %add3A_23 = vector.broadcast %add3A_22 : i32 to vector<16xi32>
    %add3A_24 = arith.addi %iota3A, %add3A_23 : vector<16xi32>
    %add3A_25 = arith.constant 80 : i32
    %add3A_26 = vector.broadcast %add3A_25 : i32 to vector<16xi32>
    %add3A_27 = arith.addi %iota3A, %add3A_26 : vector<16xi32>
    %add3A_28 = arith.constant 96 : i32
    %add3A_29 = vector.broadcast %add3A_28 : i32 to vector<16xi32>
    %add3A_30 = arith.addi %iota3A, %add3A_29 : vector<16xi32>
    %add3A_31 = arith.constant 112 : i32
    %add3A_32 = vector.broadcast %add3A_31 : i32 to vector<16xi32>
    %add3A_33 = arith.addi %iota3A, %add3A_32 : vector<16xi32>
    %le3A = vector.broadcast %mul3A_0 : i32 to vector<16xi32>
    %le3A_34 = arith.cmpi sle, %get3A_3, %le3A : vector<16xi32>
    %convert_element_type3A = arith.extui %le3A_34 : vector<16xi1> to vector<16xi32>
    %reduce_sum3A = arith.constant true
    %reduce_sum3A_35 = vector.broadcast %reduce_sum3A : i1 to vector<16xi1>
    %reduce_sum3A_36 = tpu.scan <sum>, %convert_element_type3A masked %reduce_sum3A_35 : vector<16xi32>, vector<16xi1> -> vector<16xi32>
    %reduce_sum3A_37 = vector.extract %reduce_sum3A_36[15] : i32 from vector<16xi32>
    %add3A_38 = arith.constant 2048 : i32
    %add3A_39 = arith.addi %mul3A_0, %add3A_38 : i32
    %lt3A = vector.broadcast %add3A_39 : i32 to vector<16xi32>
    %lt3A_40 = arith.cmpi slt, %select_n3A, %lt3A : vector<16xi32>
    %convert_element_type3A_41 = arith.extui %lt3A_40 : vector<16xi1> to vector<16xi32>
    %reduce_sum3A_42 = arith.constant true
    %reduce_sum3A_43 = vector.broadcast %reduce_sum3A_42 : i1 to vector<16xi1>
    %reduce_sum3A_44 = tpu.scan <sum>, %convert_element_type3A_41 masked %reduce_sum3A_43 : vector<16xi32>, vector<16xi1> -> vector<16xi32>
    %reduce_sum3A_45 = vector.extract %reduce_sum3A_44[15] : i32 from vector<16xi32>
    %broadcast_in_dim3A_46 = arith.constant 0xFF800000 : f32
    %broadcast_in_dim3A_47 = vector.broadcast %broadcast_in_dim3A_46 : f32 to vector<16xf32>
    %broadcast_in_dim3A_48 = arith.constant 2147483647 : i32
    %broadcast_in_dim3A_49 = vector.broadcast %broadcast_in_dim3A_48 : i32 to vector<16xi32>
    %while3A = arith.subi %reduce_sum3A_45, %reduce_sum3A_37 : i32
    %while3A_50 = arith.addi %reduce_sum3A_37, %while3A : i32
    %while3A_51 = arith.constant 1 : i32
    %while3A_52 = arith.divsi %while3A, %while3A_51 : i32
    %while3A_53 = arith.muli %while3A_52, %while3A_51 : i32
    %while3A_54 = arith.addi %reduce_sum3A_37, %while3A_53 : i32
    %while3A_55 = arith.constant 1 : i32
    %while3A_56:2 = scf.for %while3A_71 = %reduce_sum3A_37 to %while3A_54 step %while3A_55 iter_args(%while3A_72 = %broadcast_in_dim3A_47, %while3A_73 = %broadcast_in_dim3A_49) -> (vector<16xf32>, vector<16xi32>)  : i32 {
      %broadcast_in_dim3A_74 = vector.broadcast %while3A_71 : i32 to vector<16xi32>
      %gather3A_75 = tpu.vector_load_idx %arg7[%broadcast_in_dim3A_74] : memref<16xi32, #tpu.memory_space<vmem>>[vector<16xi32>], vector<16xi32>,
      %slice3A = vector.extract_strided_slice %gather3A_75 {offsets = [0], sizes = [1], strides = [1]} : vector<16xi32> to vector<1xi32>
      %squeeze3A = vector.extract %slice3A[0] : i32 from vector<1xi32>
      %gather3A_76 = tpu.vector_load_idx %arg6[%broadcast_in_dim3A_74] : memref<16xi32, #tpu.memory_space<vmem>>[vector<16xi32>], vector<16xi32>,
      %slice3A_77 = vector.extract_strided_slice %gather3A_76 {offsets = [0], sizes = [1], strides = [1]} : vector<16xi32> to vector<1xi32>
      %squeeze3A_78 = vector.extract %slice3A_77[0] : i32 from vector<1xi32>
      %sub3A_79 = arith.subi %squeeze3A, %mul3A_0 : i32
      %jit3A_80 = arith.constant 0 : i32
      %jit3A_81 = arith.constant 2048 : i32
      %max3A_82 = arith.maxsi %jit3A_80, %sub3A_79 : i32
      %min3A = arith.minsi %jit3A_81, %max3A_82 : i32
      %sub3A_83 = arith.subi %squeeze3A_78, %mul3A_0 : i32
      %jit3A_84 = arith.constant 0 : i32
      %jit3A_85 = arith.constant 2048 : i32
      %max3A_86 = arith.maxsi %jit3A_84, %sub3A_83 : i32
      %min3A_87 = arith.minsi %jit3A_85, %max3A_86 : i32
      %shift_right_arithmetic3A = arith.constant 4 : i32
      %shift_right_arithmetic3A_88 = arith.shrsi %min3A, %shift_right_arithmetic3A : i32
      %min3A_89 = arith.constant 127 : i32
      %min3A_90 = arith.minsi %shift_right_arithmetic3A_88, %min3A_89 : i32
      %sub3A_91 = arith.constant 1 : i32
      %sub3A_92 = arith.subi %min3A_87, %sub3A_91 : i32
      %shift_right_arithmetic3A_93 = arith.constant 4 : i32
      %shift_right_arithmetic3A_94 = arith.shrsi %sub3A_92, %shift_right_arithmetic3A_93 : i32
      %max3A_95 = arith.constant 0 : i32
      %max3A_96 = arith.maxsi %shift_right_arithmetic3A_94, %max3A_95 : i32
      %broadcast_in_dim3A_97 = arith.constant 0xFF800000 : f32
      %broadcast_in_dim3A_98 = vector.broadcast %broadcast_in_dim3A_97 : f32 to vector<16xf32>
      %broadcast_in_dim3A_99 = arith.constant 2147483647 : i32
      %broadcast_in_dim3A_100 = vector.broadcast %broadcast_in_dim3A_99 : i32 to vector<16xi32>
      %mul3A_101 = arith.constant 16 : i32
      %mul3A_102 = arith.muli %min3A_90, %mul3A_101 : i32
      %add3A_103 = arith.addi %mul3A_0, %mul3A_102 : i32
      %add3A_104 = vector.broadcast %add3A_103 : i32 to vector<16xi32>
      %add3A_105 = arith.addi %add3A_104, %iota3A : vector<16xi32>
      %get3A_106 = arith.index_cast %mul3A_102 : i32 to index
      %get3A_107 = tpu.vector_load %arg5[%get3A_106] {strides = array<i32>} : memref<2048xf32, #tpu.memory_space<vmem>>, vector<16xf32>,
      %ge3A = vector.broadcast %squeeze3A : i32 to vector<16xi32>
      %ge3A_108 = arith.cmpi sge, %add3A_105, %ge3A : vector<16xi32>
      %lt3A_109 = vector.broadcast %squeeze3A_78 : i32 to vector<16xi32>
      %lt3A_110 = arith.cmpi slt, %add3A_105, %lt3A_109 : vector<16xi32>
      %and3A = arith.andi %ge3A_108, %lt3A_110 : vector<16xi1>
      %jit3A_111 = arith.constant 0xFF800000 : f32
      %broadcast_in_dim3A_112 = vector.broadcast %jit3A_111 : f32 to vector<16xf32>
      %select_n3A_113 = arith.select %and3A, %get3A_107, %broadcast_in_dim3A_112 : vector<16xi1>, vector<16xf32>
      %gt3A = arith.cmpf ogt, %select_n3A_113, %broadcast_in_dim3A_98 : vector<16xf32>
      %select_n3A_114 = arith.select %gt3A, %select_n3A_113, %broadcast_in_dim3A_98 : vector<16xi1>, vector<16xf32>
      %select_n3A_115 = arith.select %gt3A, %add3A_105, %broadcast_in_dim3A_100 : vector<16xi1>, vector<16xi32>
      %add3A_116 = arith.constant 1 : i32
      %add3A_117 = arith.addi %min3A_90, %add3A_116 : i32
      %sub3A_118 = arith.subi %max3A_96, %add3A_117 : i32
      %max3A_119 = arith.constant 0 : i32
      %max3A_120 = arith.maxsi %sub3A_118, %max3A_119 : i32
      %shift_right_arithmetic3A_121 = arith.constant 3 : i32
      %shift_right_arithmetic3A_122 = arith.shrsi %max3A_120, %shift_right_arithmetic3A_121 : i32
      %while3A_123 = arith.constant 0 : i32
      %while3A_124 = arith.subi %shift_right_arithmetic3A_122, %while3A_123 : i32
      %while3A_125 = arith.addi %while3A_123, %while3A_124 : i32
      %while3A_126 = arith.constant 1 : i32
      %while3A_127 = arith.divsi %while3A_124, %while3A_126 : i32
      %while3A_128 = arith.muli %while3A_127, %while3A_126 : i32
      %while3A_129 = arith.addi %while3A_123, %while3A_128 : i32
      %while3A_130 = arith.constant 1 : i32
      %while3A_131:2 = scf.for %while3A_185 = %while3A_123 to %while3A_129 step %while3A_130 iter_args(%while3A_186 = %select_n3A_114, %while3A_187 = %select_n3A_115) -> (vector<16xf32>, vector<16xi32>)  : i32 {
        %mul3A_188 = arith.constant 8 : i32
        %mul3A_189 = arith.muli %while3A_185, %mul3A_188 : i32
        %add3A_190 = arith.addi %add3A_117, %mul3A_189 : i32
        %mul3A_191 = arith.constant 16 : i32
        %mul3A_192 = arith.muli %add3A_190, %mul3A_191 : i32
        %add3A_193 = arith.addi %mul3A_0, %mul3A_192 : i32
        %add3A_194 = arith.constant 0 : i32
        %add3A_195 = arith.addi %mul3A_192, %add3A_194 : i32
        %get3A_196 = arith.index_cast %add3A_195 : i32 to index
        %get3A_197 = tpu.vector_load %arg5[%get3A_196] {strides = array<i32>} : memref<2048xf32, #tpu.memory_space<vmem>>, vector<16xf32>,
        %add3A_198 = vector.broadcast %add3A_193 : i32 to vector<16xi32>
        %add3A_199 = arith.addi %add3A_198, %add3A_12 : vector<16xi32>
        %add3A_200 = arith.constant 16 : i32
        %add3A_201 = arith.addi %mul3A_192, %add3A_200 : i32
        %get3A_202 = arith.index_cast %add3A_201 : i32 to index
        %get3A_203 = tpu.vector_load %arg5[%get3A_202] {strides = array<i32>} : memref<2048xf32, #tpu.memory_space<vmem>>, vector<16xf32>,
        %add3A_204 = vector.broadcast %add3A_193 : i32 to vector<16xi32>
        %add3A_205 = arith.addi %add3A_204, %add3A_15 : vector<16xi32>
        %add3A_206 = arith.constant 32 : i32
        %add3A_207 = arith.addi %mul3A_192, %add3A_206 : i32
        %get3A_208 = arith.index_cast %add3A_207 : i32 to index
        %get3A_209 = tpu.vector_load %arg5[%get3A_208] {strides = array<i32>} : memref<2048xf32, #tpu.memory_space<vmem>>, vector<16xf32>,
        %add3A_210 = vector.broadcast %add3A_193 : i32 to vector<16xi32>
        %add3A_211 = arith.addi %add3A_210, %add3A_18 : vector<16xi32>
        %add3A_212 = arith.constant 48 : i32
        %add3A_213 = arith.addi %mul3A_192, %add3A_212 : i32
        %get3A_214 = arith.index_cast %add3A_213 : i32 to index
        %get3A_215 = tpu.vector_load %arg5[%get3A_214] {strides = array<i32>} : memref<2048xf32, #tpu.memory_space<vmem>>, vector<16xf32>,
        %add3A_216 = vector.broadcast %add3A_193 : i32 to vector<16xi32>
        %add3A_217 = arith.addi %add3A_216, %add3A_21 : vector<16xi32>
        %add3A_218 = arith.constant 64 : i32
        %add3A_219 = arith.addi %mul3A_192, %add3A_218 : i32
        %get3A_220 = arith.index_cast %add3A_219 : i32 to index
        %get3A_221 = tpu.vector_load %arg5[%get3A_220] {strides = array<i32>} : memref<2048xf32, #tpu.memory_space<vmem>>, vector<16xf32>,
        %add3A_222 = vector.broadcast %add3A_193 : i32 to vector<16xi32>
        %add3A_223 = arith.addi %add3A_222, %add3A_24 : vector<16xi32>
        %add3A_224 = arith.constant 80 : i32
        %add3A_225 = arith.addi %mul3A_192, %add3A_224 : i32
        %get3A_226 = arith.index_cast %add3A_225 : i32 to index
        %get3A_227 = tpu.vector_load %arg5[%get3A_226] {strides = array<i32>} : memref<2048xf32, #tpu.memory_space<vmem>>, vector<16xf32>,
        %add3A_228 = vector.broadcast %add3A_193 : i32 to vector<16xi32>
        %add3A_229 = arith.addi %add3A_228, %add3A_27 : vector<16xi32>
        %add3A_230 = arith.constant 96 : i32
        %add3A_231 = arith.addi %mul3A_192, %add3A_230 : i32
        %get3A_232 = arith.index_cast %add3A_231 : i32 to index
        %get3A_233 = tpu.vector_load %arg5[%get3A_232] {strides = array<i32>} : memref<2048xf32, #tpu.memory_space<vmem>>, vector<16xf32>,
        %add3A_234 = vector.broadcast %add3A_193 : i32 to vector<16xi32>
        %add3A_235 = arith.addi %add3A_234, %add3A_30 : vector<16xi32>
        %add3A_236 = arith.constant 112 : i32
        %add3A_237 = arith.addi %mul3A_192, %add3A_236 : i32
        %get3A_238 = arith.index_cast %add3A_237 : i32 to index
        %get3A_239 = tpu.vector_load %arg5[%get3A_238] {strides = array<i32>} : memref<2048xf32, #tpu.memory_space<vmem>>, vector<16xf32>,
        %add3A_240 = vector.broadcast %add3A_193 : i32 to vector<16xi32>
        %add3A_241 = arith.addi %add3A_240, %add3A_33 : vector<16xi32>
        %gt3A_242 = arith.cmpf ogt, %get3A_203, %get3A_197 : vector<16xf32>
        %max3A_243 = arith.maximumf %get3A_197, %get3A_203 : vector<16xf32>
        %select_n3A_244 = arith.select %gt3A_242, %add3A_205, %add3A_199 : vector<16xi1>, vector<16xi32>
        %gt3A_245 = arith.cmpf ogt, %get3A_215, %get3A_209 : vector<16xf32>
        %max3A_246 = arith.maximumf %get3A_209, %get3A_215 : vector<16xf32>
        %select_n3A_247 = arith.select %gt3A_245, %add3A_217, %add3A_211 : vector<16xi1>, vector<16xi32>
        %gt3A_248 = arith.cmpf ogt, %get3A_227, %get3A_221 : vector<16xf32>
        %max3A_249 = arith.maximumf %get3A_221, %get3A_227 : vector<16xf32>
        %select_n3A_250 = arith.select %gt3A_248, %add3A_229, %add3A_223 : vector<16xi1>, vector<16xi32>
        %gt3A_251 = arith.cmpf ogt, %get3A_239, %get3A_233 : vector<16xf32>
        %max3A_252 = arith.maximumf %get3A_233, %get3A_239 : vector<16xf32>
        %select_n3A_253 = arith.select %gt3A_251, %add3A_241, %add3A_235 : vector<16xi1>, vector<16xi32>
        %gt3A_254 = arith.cmpf ogt, %max3A_246, %max3A_243 : vector<16xf32>
        %max3A_255 = arith.maximumf %max3A_243, %max3A_246 : vector<16xf32>
        %select_n3A_256 = arith.select %gt3A_254, %select_n3A_247, %select_n3A_244 : vector<16xi1>, vector<16xi32>
        %gt3A_257 = arith.cmpf ogt, %max3A_252, %max3A_249 : vector<16xf32>
        %max3A_258 = arith.maximumf %max3A_249, %max3A_252 : vector<16xf32>
        %select_n3A_259 = arith.select %gt3A_257, %select_n3A_253, %select_n3A_250 : vector<16xi1>, vector<16xi32>
        %gt3A_260 = arith.cmpf ogt, %max3A_258, %max3A_255 : vector<16xf32>
        %max3A_261 = arith.maximumf %max3A_255, %max3A_258 : vector<16xf32>
        %select_n3A_262 = arith.select %gt3A_260, %select_n3A_259, %select_n3A_256 : vector<16xi1>, vector<16xi32>
        %gt3A_263 = arith.cmpf ogt, %max3A_261, %while3A_186 : vector<16xf32>
        %max3A_264 = arith.maximumf %while3A_186, %max3A_261 : vector<16xf32>
        %select_n3A_265 = arith.select %gt3A_263, %select_n3A_262, %while3A_187 : vector<16xi1>, vector<16xi32>
        scf.yield %max3A_264, %select_n3A_265 : vector<16xf32>, vector<16xi32>
      }
      %while3A_132 = arith.constant 1 : i32
      %while3A_133:2 = scf.for %while3A_185 = %while3A_129 to %while3A_125 step %while3A_132 iter_args(%while3A_186 = %while3A_131#0, %while3A_187 = %while3A_131#1) -> (vector<16xf32>, vector<16xi32>)  : i32 {
        %mul3A_188 = arith.constant 8 : i32
        %mul3A_189 = arith.muli %while3A_185, %mul3A_188 : i32
        %add3A_190 = arith.addi %add3A_117, %mul3A_189 : i32
        %mul3A_191 = arith.constant 16 : i32
        %mul3A_192 = arith.muli %add3A_190, %mul3A_191 : i32
        %add3A_193 = arith.addi %mul3A_0, %mul3A_192 : i32
        %add3A_194 = arith.constant 0 : i32
        %add3A_195 = arith.addi %mul3A_192, %add3A_194 : i32
        %get3A_196 = arith.index_cast %add3A_195 : i32 to index
        %get3A_197 = tpu.vector_load %arg5[%get3A_196] {strides = array<i32>} : memref<2048xf32, #tpu.memory_space<vmem>>, vector<16xf32>,
        %add3A_198 = vector.broadcast %add3A_193 : i32 to vector<16xi32>
        %add3A_199 = arith.addi %add3A_198, %add3A_12 : vector<16xi32>
        %add3A_200 = arith.constant 16 : i32
        %add3A_201 = arith.addi %mul3A_192, %add3A_200 : i32
        %get3A_202 = arith.index_cast %add3A_201 : i32 to index
        %get3A_203 = tpu.vector_load %arg5[%get3A_202] {strides = array<i32>} : memref<2048xf32, #tpu.memory_space<vmem>>, vector<16xf32>,
        %add3A_204 = vector.broadcast %add3A_193 : i32 to vector<16xi32>
        %add3A_205 = arith.addi %add3A_204, %add3A_15 : vector<16xi32>
        %add3A_206 = arith.constant 32 : i32
        %add3A_207 = arith.addi %mul3A_192, %add3A_206 : i32
        %get3A_208 = arith.index_cast %add3A_207 : i32 to index
        %get3A_209 = tpu.vector_load %arg5[%get3A_208] {strides = array<i32>} : memref<2048xf32, #tpu.memory_space<vmem>>, vector<16xf32>,
        %add3A_210 = vector.broadcast %add3A_193 : i32 to vector<16xi32>
        %add3A_211 = arith.addi %add3A_210, %add3A_18 : vector<16xi32>
        %add3A_212 = arith.constant 48 : i32
        %add3A_213 = arith.addi %mul3A_192, %add3A_212 : i32
        %get3A_214 = arith.index_cast %add3A_213 : i32 to index
        %get3A_215 = tpu.vector_load %arg5[%get3A_214] {strides = array<i32>} : memref<2048xf32, #tpu.memory_space<vmem>>, vector<16xf32>,
        %add3A_216 = vector.broadcast %add3A_193 : i32 to vector<16xi32>
        %add3A_217 = arith.addi %add3A_216, %add3A_21 : vector<16xi32>
        %add3A_218 = arith.constant 64 : i32
        %add3A_219 = arith.addi %mul3A_192, %add3A_218 : i32
        %get3A_220 = arith.index_cast %add3A_219 : i32 to index
        %get3A_221 = tpu.vector_load %arg5[%get3A_220] {strides = array<i32>} : memref<2048xf32, #tpu.memory_space<vmem>>, vector<16xf32>,
        %add3A_222 = vector.broadcast %add3A_193 : i32 to vector<16xi32>
        %add3A_223 = arith.addi %add3A_222, %add3A_24 : vector<16xi32>
        %add3A_224 = arith.constant 80 : i32
        %add3A_225 = arith.addi %mul3A_192, %add3A_224 : i32
        %get3A_226 = arith.index_cast %add3A_225 : i32 to index
        %get3A_227 = tpu.vector_load %arg5[%get3A_226] {strides = array<i32>} : memref<2048xf32, #tpu.memory_space<vmem>>, vector<16xf32>,
        %add3A_228 = vector.broadcast %add3A_193 : i32 to vector<16xi32>
        %add3A_229 = arith.addi %add3A_228, %add3A_27 : vector<16xi32>
        %add3A_230 = arith.constant 96 : i32
        %add3A_231 = arith.addi %mul3A_192, %add3A_230 : i32
        %get3A_232 = arith.index_cast %add3A_231 : i32 to index
        %get3A_233 = tpu.vector_load %arg5[%get3A_232] {strides = array<i32>} : memref<2048xf32, #tpu.memory_space<vmem>>, vector<16xf32>,
        %add3A_234 = vector.broadcast %add3A_193 : i32 to vector<16xi32>
        %add3A_235 = arith.addi %add3A_234, %add3A_30 : vector<16xi32>
        %add3A_236 = arith.constant 112 : i32
        %add3A_237 = arith.addi %mul3A_192, %add3A_236 : i32
        %get3A_238 = arith.index_cast %add3A_237 : i32 to index
        %get3A_239 = tpu.vector_load %arg5[%get3A_238] {strides = array<i32>} : memref<2048xf32, #tpu.memory_space<vmem>>, vector<16xf32>,
        %add3A_240 = vector.broadcast %add3A_193 : i32 to vector<16xi32>
        %add3A_241 = arith.addi %add3A_240, %add3A_33 : vector<16xi32>
        %gt3A_242 = arith.cmpf ogt, %get3A_203, %get3A_197 : vector<16xf32>
        %max3A_243 = arith.maximumf %get3A_197, %get3A_203 : vector<16xf32>
        %select_n3A_244 = arith.select %gt3A_242, %add3A_205, %add3A_199 : vector<16xi1>, vector<16xi32>
        %gt3A_245 = arith.cmpf ogt, %get3A_215, %get3A_209 : vector<16xf32>
        %max3A_246 = arith.maximumf %get3A_209, %get3A_215 : vector<16xf32>
        %select_n3A_247 = arith.select %gt3A_245, %add3A_217, %add3A_211 : vector<16xi1>, vector<16xi32>
        %gt3A_248 = arith.cmpf ogt, %get3A_227, %get3A_221 : vector<16xf32>
        %max3A_249 = arith.maximumf %get3A_221, %get3A_227 : vector<16xf32>
        %select_n3A_250 = arith.select %gt3A_248, %add3A_229, %add3A_223 : vector<16xi1>, vector<16xi32>
        %gt3A_251 = arith.cmpf ogt, %get3A_239, %get3A_233 : vector<16xf32>
        %max3A_252 = arith.maximumf %get3A_233, %get3A_239 : vector<16xf32>
        %select_n3A_253 = arith.select %gt3A_251, %add3A_241, %add3A_235 : vector<16xi1>, vector<16xi32>
        %gt3A_254 = arith.cmpf ogt, %max3A_246, %max3A_243 : vector<16xf32>
        %max3A_255 = arith.maximumf %max3A_243, %max3A_246 : vector<16xf32>
        %select_n3A_256 = arith.select %gt3A_254, %select_n3A_247, %select_n3A_244 : vector<16xi1>, vector<16xi32>
        %gt3A_257 = arith.cmpf ogt, %max3A_252, %max3A_249 : vector<16xf32>
        %max3A_258 = arith.maximumf %max3A_249, %max3A_252 : vector<16xf32>
        %select_n3A_259 = arith.select %gt3A_257, %select_n3A_253, %select_n3A_250 : vector<16xi1>, vector<16xi32>
        %gt3A_260 = arith.cmpf ogt, %max3A_258, %max3A_255 : vector<16xf32>
        %max3A_261 = arith.maximumf %max3A_255, %max3A_258 : vector<16xf32>
        %select_n3A_262 = arith.select %gt3A_260, %select_n3A_259, %select_n3A_256 : vector<16xi1>, vector<16xi32>
        %gt3A_263 = arith.cmpf ogt, %max3A_261, %while3A_186 : vector<16xf32>
        %max3A_264 = arith.maximumf %while3A_186, %max3A_261 : vector<16xf32>
        %select_n3A_265 = arith.select %gt3A_263, %select_n3A_262, %while3A_187 : vector<16xi1>, vector<16xi32>
        scf.yield %max3A_264, %select_n3A_265 : vector<16xf32>, vector<16xi32>
      }
      %mul3A_134 = arith.constant 8 : i32
      %mul3A_135 = arith.muli %shift_right_arithmetic3A_122, %mul3A_134 : i32
      %add3A_136 = arith.addi %add3A_117, %mul3A_135 : i32
      %while3A_137 = arith.subi %max3A_96, %add3A_136 : i32
      %while3A_138 = arith.addi %add3A_136, %while3A_137 : i32
      %while3A_139 = arith.constant 1 : i32
      %while3A_140 = arith.divsi %while3A_137, %while3A_139 : i32
      %while3A_141 = arith.muli %while3A_140, %while3A_139 : i32
      %while3A_142 = arith.addi %add3A_136, %while3A_141 : i32
      %while3A_143 = arith.constant 1 : i32
      %while3A_144:2 = scf.for %while3A_185 = %add3A_136 to %while3A_142 step %while3A_143 iter_args(%while3A_186 = %while3A_133#0, %while3A_187 = %while3A_133#1) -> (vector<16xf32>, vector<16xi32>)  : i32 {
        %mul3A_188 = arith.constant 16 : i32
        %mul3A_189 = arith.muli %while3A_185, %mul3A_188 : i32
        %get3A_190 = arith.index_cast %mul3A_189 : i32 to index
        %get3A_191 = tpu.vector_load %arg5[%get3A_190] {strides = array<i32>} : memref<2048xf32, #tpu.memory_space<vmem>>, vector<16xf32>,
        %gt3A_192 = arith.cmpf ogt, %get3A_191, %while3A_186 : vector<16xf32>
        %select_n3A_193 = arith.select %gt3A_192, %get3A_191, %while3A_186 : vector<16xi1>, vector<16xf32>
        %add3A_194 = arith.addi %mul3A_0, %mul3A_189 : i32
        %add3A_195 = vector.broadcast %add3A_194 : i32 to vector<16xi32>
        %add3A_196 = arith.addi %add3A_195, %iota3A : vector<16xi32>
        %select_n3A_197 = arith.select %gt3A_192, %add3A_196, %while3A_187 : vector<16xi1>, vector<16xi32>
        scf.yield %select_n3A_193, %select_n3A_197 : vector<16xf32>, vector<16xi32>
      }
      %while3A_145 = arith.constant 1 : i32
      %while3A_146:2 = scf.for %while3A_185 = %while3A_142 to %while3A_138 step %while3A_145 iter_args(%while3A_186 = %while3A_144#0, %while3A_187 = %while3A_144#1) -> (vector<16xf32>, vector<16xi32>)  : i32 {
        %mul3A_188 = arith.constant 16 : i32
        %mul3A_189 = arith.muli %while3A_185, %mul3A_188 : i32
        %get3A_190 = arith.index_cast %mul3A_189 : i32 to index
        %get3A_191 = tpu.vector_load %arg5[%get3A_190] {strides = array<i32>} : memref<2048xf32, #tpu.memory_space<vmem>>, vector<16xf32>,
        %gt3A_192 = arith.cmpf ogt, %get3A_191, %while3A_186 : vector<16xf32>
        %select_n3A_193 = arith.select %gt3A_192, %get3A_191, %while3A_186 : vector<16xi1>, vector<16xf32>
        %add3A_194 = arith.addi %mul3A_0, %mul3A_189 : i32
        %add3A_195 = vector.broadcast %add3A_194 : i32 to vector<16xi32>
        %add3A_196 = arith.addi %add3A_195, %iota3A : vector<16xi32>
        %select_n3A_197 = arith.select %gt3A_192, %add3A_196, %while3A_187 : vector<16xi1>, vector<16xi32>
        scf.yield %select_n3A_193, %select_n3A_197 : vector<16xf32>, vector<16xi32>
      }
      %mul3A_147 = arith.constant 16 : i32
      %mul3A_148 = arith.muli %max3A_96, %mul3A_147 : i32
      %add3A_149 = arith.addi %mul3A_0, %mul3A_148 : i32
      %add3A_150 = vector.broadcast %add3A_149 : i32 to vector<16xi32>
      %add3A_151 = arith.addi %add3A_150, %iota3A : vector<16xi32>
      %get3A_152 = arith.index_cast %mul3A_148 : i32 to index
      %get3A_153 = tpu.vector_load %arg5[%get3A_152] {strides = array<i32>} : memref<2048xf32, #tpu.memory_space<vmem>>, vector<16xf32>,
      %ge3A_154 = vector.broadcast %squeeze3A : i32 to vector<16xi32>
      %ge3A_155 = arith.cmpi sge, %add3A_151, %ge3A_154 : vector<16xi32>
      %lt3A_156 = vector.broadcast %squeeze3A_78 : i32 to vector<16xi32>
      %lt3A_157 = arith.cmpi slt, %add3A_151, %lt3A_156 : vector<16xi32>
      %and3A_158 = arith.andi %ge3A_155, %lt3A_157 : vector<16xi1>
      %jit3A_159 = arith.constant 0xFF800000 : f32
      %broadcast_in_dim3A_160 = vector.broadcast %jit3A_159 : f32 to vector<16xf32>
      %select_n3A_161 = arith.select %and3A_158, %get3A_153, %broadcast_in_dim3A_160 : vector<16xi1>, vector<16xf32>
      %gt3A_162 = arith.cmpf ogt, %select_n3A_161, %while3A_146#0 : vector<16xf32>
      %select_n3A_163 = arith.select %gt3A_162, %select_n3A_161, %while3A_146#0 : vector<16xi1>, vector<16xf32>
      %select_n3A_164 = arith.select %gt3A_162, %add3A_151, %while3A_146#1 : vector<16xi1>, vector<16xi32>
      %reduce_max3A = arith.constant true
      %reduce_max3A_165 = vector.broadcast %reduce_max3A : i1 to vector<16xi1>
      %reduce_max3A_166 = tpu.scan <max>, %select_n3A_163 masked %reduce_max3A_165 : vector<16xf32>, vector<16xi1> -> vector<16xf32>
      %reduce_max3A_167 = vector.extract %reduce_max3A_166[15] : f32 from vector<16xf32>
      %eq3A_168 = vector.broadcast %reduce_max3A_167 : f32 to vector<16xf32>
      %eq3A_169 = arith.cmpf oeq, %select_n3A_163, %eq3A_168 : vector<16xf32>
      %jit3A_170 = arith.constant 2147483647 : i32
      %broadcast_in_dim3A_171 = vector.broadcast %jit3A_170 : i32 to vector<16xi32>
      %select_n3A_172 = arith.select %eq3A_169, %select_n3A_164, %broadcast_in_dim3A_171 : vector<16xi1>, vector<16xi32>
      %reduce_min3A = arith.constant true
      %reduce_min3A_173 = vector.broadcast %reduce_min3A : i1 to vector<16xi1>
      %reduce_min3A_174 = arith.constant -2147483648 : i32
      %reduce_min3A_175 = vector.broadcast %reduce_min3A_174 : i32 to vector<16xi32>
      %reduce_min3A_176 = arith.xori %select_n3A_172, %reduce_min3A_175 : vector<16xi32>
      %reduce_min3A_177 = tpu.scan <min>, %reduce_min3A_176 masked %reduce_min3A_173 : vector<16xi32>, vector<16xi1> -> vector<16xi32>
      %reduce_min3A_178 = arith.xori %reduce_min3A_177, %reduce_min3A_175 : vector<16xi32>
      %reduce_min3A_179 = vector.extract %reduce_min3A_178[15] : i32 from vector<16xi32>
      %eq3A_180 = arith.cmpi eq, %iota3A, %broadcast_in_dim3A_74 : vector<16xi32>
      %broadcast_in_dim3A_181 = vector.broadcast %reduce_max3A_167 : f32 to vector<16xf32>
      %select_n3A_182 = arith.select %eq3A_180, %broadcast_in_dim3A_181, %while3A_72 : vector<16xi1>, vector<16xf32>
      %broadcast_in_dim3A_183 = vector.broadcast %reduce_min3A_179 : i32 to vector<16xi32>
      %select_n3A_184 = arith.select %eq3A_180, %broadcast_in_dim3A_183, %while3A_73 : vector<16xi1>, vector<16xi32>
      scf.yield %select_n3A_182, %select_n3A_184 : vector<16xf32>, vector<16xi32>
    }
    %while3A_57 = arith.constant 1 : i32
    %while3A_58:2 = scf.for %while3A_71 = %while3A_54 to %while3A_50 step %while3A_57 iter_args(%while3A_72 = %while3A_56#0, %while3A_73 = %while3A_56#1) -> (vector<16xf32>, vector<16xi32>)  : i32 {
      %broadcast_in_dim3A_74 = vector.broadcast %while3A_71 : i32 to vector<16xi32>
      %gather3A_75 = tpu.vector_load_idx %arg7[%broadcast_in_dim3A_74] : memref<16xi32, #tpu.memory_space<vmem>>[vector<16xi32>], vector<16xi32>,
      %slice3A = vector.extract_strided_slice %gather3A_75 {offsets = [0], sizes = [1], strides = [1]} : vector<16xi32> to vector<1xi32>
      %squeeze3A = vector.extract %slice3A[0] : i32 from vector<1xi32>
      %gather3A_76 = tpu.vector_load_idx %arg6[%broadcast_in_dim3A_74] : memref<16xi32, #tpu.memory_space<vmem>>[vector<16xi32>], vector<16xi32>,
      %slice3A_77 = vector.extract_strided_slice %gather3A_76 {offsets = [0], sizes = [1], strides = [1]} : vector<16xi32> to vector<1xi32>
      %squeeze3A_78 = vector.extract %slice3A_77[0] : i32 from vector<1xi32>
      %sub3A_79 = arith.subi %squeeze3A, %mul3A_0 : i32
      %jit3A_80 = arith.constant 0 : i32
      %jit3A_81 = arith.constant 2048 : i32
      %max3A_82 = arith.maxsi %jit3A_80, %sub3A_79 : i32
      %min3A = arith.minsi %jit3A_81, %max3A_82 : i32
      %sub3A_83 = arith.subi %squeeze3A_78, %mul3A_0 : i32
      %jit3A_84 = arith.constant 0 : i32
      %jit3A_85 = arith.constant 2048 : i32
      %max3A_86 = arith.maxsi %jit3A_84, %sub3A_83 : i32
      %min3A_87 = arith.minsi %jit3A_85, %max3A_86 : i32
      %shift_right_arithmetic3A = arith.constant 4 : i32
      %shift_right_arithmetic3A_88 = arith.shrsi %min3A, %shift_right_arithmetic3A : i32
      %min3A_89 = arith.constant 127 : i32
      %min3A_90 = arith.minsi %shift_right_arithmetic3A_88, %min3A_89 : i32
      %sub3A_91 = arith.constant 1 : i32
      %sub3A_92 = arith.subi %min3A_87, %sub3A_91 : i32
      %shift_right_arithmetic3A_93 = arith.constant 4 : i32
      %shift_right_arithmetic3A_94 = arith.shrsi %sub3A_92, %shift_right_arithmetic3A_93 : i32
      %max3A_95 = arith.constant 0 : i32
      %max3A_96 = arith.maxsi %shift_right_arithmetic3A_94, %max3A_95 : i32
      %broadcast_in_dim3A_97 = arith.constant 0xFF800000 : f32
      %broadcast_in_dim3A_98 = vector.broadcast %broadcast_in_dim3A_97 : f32 to vector<16xf32>
      %broadcast_in_dim3A_99 = arith.constant 2147483647 : i32
      %broadcast_in_dim3A_100 = vector.broadcast %broadcast_in_dim3A_99 : i32 to vector<16xi32>
      %mul3A_101 = arith.constant 16 : i32
      %mul3A_102 = arith.muli %min3A_90, %mul3A_101 : i32
      %add3A_103 = arith.addi %mul3A_0, %mul3A_102 : i32
      %add3A_104 = vector.broadcast %add3A_103 : i32 to vector<16xi32>
      %add3A_105 = arith.addi %add3A_104, %iota3A : vector<16xi32>
      %get3A_106 = arith.index_cast %mul3A_102 : i32 to index
      %get3A_107 = tpu.vector_load %arg5[%get3A_106] {strides = array<i32>} : memref<2048xf32, #tpu.memory_space<vmem>>, vector<16xf32>,
      %ge3A = vector.broadcast %squeeze3A : i32 to vector<16xi32>
      %ge3A_108 = arith.cmpi sge, %add3A_105, %ge3A : vector<16xi32>
      %lt3A_109 = vector.broadcast %squeeze3A_78 : i32 to vector<16xi32>
      %lt3A_110 = arith.cmpi slt, %add3A_105, %lt3A_109 : vector<16xi32>
      %and3A = arith.andi %ge3A_108, %lt3A_110 : vector<16xi1>
      %jit3A_111 = arith.constant 0xFF800000 : f32
      %broadcast_in_dim3A_112 = vector.broadcast %jit3A_111 : f32 to vector<16xf32>
      %select_n3A_113 = arith.select %and3A, %get3A_107, %broadcast_in_dim3A_112 : vector<16xi1>, vector<16xf32>
      %gt3A = arith.cmpf ogt, %select_n3A_113, %broadcast_in_dim3A_98 : vector<16xf32>
      %select_n3A_114 = arith.select %gt3A, %select_n3A_113, %broadcast_in_dim3A_98 : vector<16xi1>, vector<16xf32>
      %select_n3A_115 = arith.select %gt3A, %add3A_105, %broadcast_in_dim3A_100 : vector<16xi1>, vector<16xi32>
      %add3A_116 = arith.constant 1 : i32
      %add3A_117 = arith.addi %min3A_90, %add3A_116 : i32
      %sub3A_118 = arith.subi %max3A_96, %add3A_117 : i32
      %max3A_119 = arith.constant 0 : i32
      %max3A_120 = arith.maxsi %sub3A_118, %max3A_119 : i32
      %shift_right_arithmetic3A_121 = arith.constant 3 : i32
      %shift_right_arithmetic3A_122 = arith.shrsi %max3A_120, %shift_right_arithmetic3A_121 : i32
      %while3A_123 = arith.constant 0 : i32
      %while3A_124 = arith.subi %shift_right_arithmetic3A_122, %while3A_123 : i32
      %while3A_125 = arith.addi %while3A_123, %while3A_124 : i32
      %while3A_126 = arith.constant 1 : i32
      %while3A_127 = arith.divsi %while3A_124, %while3A_126 : i32
      %while3A_128 = arith.muli %while3A_127, %while3A_126 : i32
      %while3A_129 = arith.addi %while3A_123, %while3A_128 : i32
      %while3A_130 = arith.constant 1 : i32
      %while3A_131:2 = scf.for %while3A_185 = %while3A_123 to %while3A_129 step %while3A_130 iter_args(%while3A_186 = %select_n3A_114, %while3A_187 = %select_n3A_115) -> (vector<16xf32>, vector<16xi32>)  : i32 {
        %mul3A_188 = arith.constant 8 : i32
        %mul3A_189 = arith.muli %while3A_185, %mul3A_188 : i32
        %add3A_190 = arith.addi %add3A_117, %mul3A_189 : i32
        %mul3A_191 = arith.constant 16 : i32
        %mul3A_192 = arith.muli %add3A_190, %mul3A_191 : i32
        %add3A_193 = arith.addi %mul3A_0, %mul3A_192 : i32
        %add3A_194 = arith.constant 0 : i32
        %add3A_195 = arith.addi %mul3A_192, %add3A_194 : i32
        %get3A_196 = arith.index_cast %add3A_195 : i32 to index
        %get3A_197 = tpu.vector_load %arg5[%get3A_196] {strides = array<i32>} : memref<2048xf32, #tpu.memory_space<vmem>>, vector<16xf32>,
        %add3A_198 = vector.broadcast %add3A_193 : i32 to vector<16xi32>
        %add3A_199 = arith.addi %add3A_198, %add3A_12 : vector<16xi32>
        %add3A_200 = arith.constant 16 : i32
        %add3A_201 = arith.addi %mul3A_192, %add3A_200 : i32
        %get3A_202 = arith.index_cast %add3A_201 : i32 to index
        %get3A_203 = tpu.vector_load %arg5[%get3A_202] {strides = array<i32>} : memref<2048xf32, #tpu.memory_space<vmem>>, vector<16xf32>,
        %add3A_204 = vector.broadcast %add3A_193 : i32 to vector<16xi32>
        %add3A_205 = arith.addi %add3A_204, %add3A_15 : vector<16xi32>
        %add3A_206 = arith.constant 32 : i32
        %add3A_207 = arith.addi %mul3A_192, %add3A_206 : i32
        %get3A_208 = arith.index_cast %add3A_207 : i32 to index
        %get3A_209 = tpu.vector_load %arg5[%get3A_208] {strides = array<i32>} : memref<2048xf32, #tpu.memory_space<vmem>>, vector<16xf32>,
        %add3A_210 = vector.broadcast %add3A_193 : i32 to vector<16xi32>
        %add3A_211 = arith.addi %add3A_210, %add3A_18 : vector<16xi32>
        %add3A_212 = arith.constant 48 : i32
        %add3A_213 = arith.addi %mul3A_192, %add3A_212 : i32
        %get3A_214 = arith.index_cast %add3A_213 : i32 to index
        %get3A_215 = tpu.vector_load %arg5[%get3A_214] {strides = array<i32>} : memref<2048xf32, #tpu.memory_space<vmem>>, vector<16xf32>,
        %add3A_216 = vector.broadcast %add3A_193 : i32 to vector<16xi32>
        %add3A_217 = arith.addi %add3A_216, %add3A_21 : vector<16xi32>
        %add3A_218 = arith.constant 64 : i32
        %add3A_219 = arith.addi %mul3A_192, %add3A_218 : i32
        %get3A_220 = arith.index_cast %add3A_219 : i32 to index
        %get3A_221 = tpu.vector_load %arg5[%get3A_220] {strides = array<i32>} : memref<2048xf32, #tpu.memory_space<vmem>>, vector<16xf32>,
        %add3A_222 = vector.broadcast %add3A_193 : i32 to vector<16xi32>
        %add3A_223 = arith.addi %add3A_222, %add3A_24 : vector<16xi32>
        %add3A_224 = arith.constant 80 : i32
        %add3A_225 = arith.addi %mul3A_192, %add3A_224 : i32
        %get3A_226 = arith.index_cast %add3A_225 : i32 to index
        %get3A_227 = tpu.vector_load %arg5[%get3A_226] {strides = array<i32>} : memref<2048xf32, #tpu.memory_space<vmem>>, vector<16xf32>,
        %add3A_228 = vector.broadcast %add3A_193 : i32 to vector<16xi32>
        %add3A_229 = arith.addi %add3A_228, %add3A_27 : vector<16xi32>
        %add3A_230 = arith.constant 96 : i32
        %add3A_231 = arith.addi %mul3A_192, %add3A_230 : i32
        %get3A_232 = arith.index_cast %add3A_231 : i32 to index
        %get3A_233 = tpu.vector_load %arg5[%get3A_232] {strides = array<i32>} : memref<2048xf32, #tpu.memory_space<vmem>>, vector<16xf32>,
        %add3A_234 = vector.broadcast %add3A_193 : i32 to vector<16xi32>
        %add3A_235 = arith.addi %add3A_234, %add3A_30 : vector<16xi32>
        %add3A_236 = arith.constant 112 : i32
        %add3A_237 = arith.addi %mul3A_192, %add3A_236 : i32
        %get3A_238 = arith.index_cast %add3A_237 : i32 to index
        %get3A_239 = tpu.vector_load %arg5[%get3A_238] {strides = array<i32>} : memref<2048xf32, #tpu.memory_space<vmem>>, vector<16xf32>,
        %add3A_240 = vector.broadcast %add3A_193 : i32 to vector<16xi32>
        %add3A_241 = arith.addi %add3A_240, %add3A_33 : vector<16xi32>
        %gt3A_242 = arith.cmpf ogt, %get3A_203, %get3A_197 : vector<16xf32>
        %max3A_243 = arith.maximumf %get3A_197, %get3A_203 : vector<16xf32>
        %select_n3A_244 = arith.select %gt3A_242, %add3A_205, %add3A_199 : vector<16xi1>, vector<16xi32>
        %gt3A_245 = arith.cmpf ogt, %get3A_215, %get3A_209 : vector<16xf32>
        %max3A_246 = arith.maximumf %get3A_209, %get3A_215 : vector<16xf32>
        %select_n3A_247 = arith.select %gt3A_245, %add3A_217, %add3A_211 : vector<16xi1>, vector<16xi32>
        %gt3A_248 = arith.cmpf ogt, %get3A_227, %get3A_221 : vector<16xf32>
        %max3A_249 = arith.maximumf %get3A_221, %get3A_227 : vector<16xf32>
        %select_n3A_250 = arith.select %gt3A_248, %add3A_229, %add3A_223 : vector<16xi1>, vector<16xi32>
        %gt3A_251 = arith.cmpf ogt, %get3A_239, %get3A_233 : vector<16xf32>
        %max3A_252 = arith.maximumf %get3A_233, %get3A_239 : vector<16xf32>
        %select_n3A_253 = arith.select %gt3A_251, %add3A_241, %add3A_235 : vector<16xi1>, vector<16xi32>
        %gt3A_254 = arith.cmpf ogt, %max3A_246, %max3A_243 : vector<16xf32>
        %max3A_255 = arith.maximumf %max3A_243, %max3A_246 : vector<16xf32>
        %select_n3A_256 = arith.select %gt3A_254, %select_n3A_247, %select_n3A_244 : vector<16xi1>, vector<16xi32>
        %gt3A_257 = arith.cmpf ogt, %max3A_252, %max3A_249 : vector<16xf32>
        %max3A_258 = arith.maximumf %max3A_249, %max3A_252 : vector<16xf32>
        %select_n3A_259 = arith.select %gt3A_257, %select_n3A_253, %select_n3A_250 : vector<16xi1>, vector<16xi32>
        %gt3A_260 = arith.cmpf ogt, %max3A_258, %max3A_255 : vector<16xf32>
        %max3A_261 = arith.maximumf %max3A_255, %max3A_258 : vector<16xf32>
        %select_n3A_262 = arith.select %gt3A_260, %select_n3A_259, %select_n3A_256 : vector<16xi1>, vector<16xi32>
        %gt3A_263 = arith.cmpf ogt, %max3A_261, %while3A_186 : vector<16xf32>
        %max3A_264 = arith.maximumf %while3A_186, %max3A_261 : vector<16xf32>
        %select_n3A_265 = arith.select %gt3A_263, %select_n3A_262, %while3A_187 : vector<16xi1>, vector<16xi32>
        scf.yield %max3A_264, %select_n3A_265 : vector<16xf32>, vector<16xi32>
      }
      %while3A_132 = arith.constant 1 : i32
      %while3A_133:2 = scf.for %while3A_185 = %while3A_129 to %while3A_125 step %while3A_132 iter_args(%while3A_186 = %while3A_131#0, %while3A_187 = %while3A_131#1) -> (vector<16xf32>, vector<16xi32>)  : i32 {
        %mul3A_188 = arith.constant 8 : i32
        %mul3A_189 = arith.muli %while3A_185, %mul3A_188 : i32
        %add3A_190 = arith.addi %add3A_117, %mul3A_189 : i32
        %mul3A_191 = arith.constant 16 : i32
        %mul3A_192 = arith.muli %add3A_190, %mul3A_191 : i32
        %add3A_193 = arith.addi %mul3A_0, %mul3A_192 : i32
        %add3A_194 = arith.constant 0 : i32
        %add3A_195 = arith.addi %mul3A_192, %add3A_194 : i32
        %get3A_196 = arith.index_cast %add3A_195 : i32 to index
        %get3A_197 = tpu.vector_load %arg5[%get3A_196] {strides = array<i32>} : memref<2048xf32, #tpu.memory_space<vmem>>, vector<16xf32>,
        %add3A_198 = vector.broadcast %add3A_193 : i32 to vector<16xi32>
        %add3A_199 = arith.addi %add3A_198, %add3A_12 : vector<16xi32>
        %add3A_200 = arith.constant 16 : i32
        %add3A_201 = arith.addi %mul3A_192, %add3A_200 : i32
        %get3A_202 = arith.index_cast %add3A_201 : i32 to index
        %get3A_203 = tpu.vector_load %arg5[%get3A_202] {strides = array<i32>} : memref<2048xf32, #tpu.memory_space<vmem>>, vector<16xf32>,
        %add3A_204 = vector.broadcast %add3A_193 : i32 to vector<16xi32>
        %add3A_205 = arith.addi %add3A_204, %add3A_15 : vector<16xi32>
        %add3A_206 = arith.constant 32 : i32
        %add3A_207 = arith.addi %mul3A_192, %add3A_206 : i32
        %get3A_208 = arith.index_cast %add3A_207 : i32 to index
        %get3A_209 = tpu.vector_load %arg5[%get3A_208] {strides = array<i32>} : memref<2048xf32, #tpu.memory_space<vmem>>, vector<16xf32>,
        %add3A_210 = vector.broadcast %add3A_193 : i32 to vector<16xi32>
        %add3A_211 = arith.addi %add3A_210, %add3A_18 : vector<16xi32>
        %add3A_212 = arith.constant 48 : i32
        %add3A_213 = arith.addi %mul3A_192, %add3A_212 : i32
        %get3A_214 = arith.index_cast %add3A_213 : i32 to index
        %get3A_215 = tpu.vector_load %arg5[%get3A_214] {strides = array<i32>} : memref<2048xf32, #tpu.memory_space<vmem>>, vector<16xf32>,
        %add3A_216 = vector.broadcast %add3A_193 : i32 to vector<16xi32>
        %add3A_217 = arith.addi %add3A_216, %add3A_21 : vector<16xi32>
        %add3A_218 = arith.constant 64 : i32
        %add3A_219 = arith.addi %mul3A_192, %add3A_218 : i32
        %get3A_220 = arith.index_cast %add3A_219 : i32 to index
        %get3A_221 = tpu.vector_load %arg5[%get3A_220] {strides = array<i32>} : memref<2048xf32, #tpu.memory_space<vmem>>, vector<16xf32>,
        %add3A_222 = vector.broadcast %add3A_193 : i32 to vector<16xi32>
        %add3A_223 = arith.addi %add3A_222, %add3A_24 : vector<16xi32>
        %add3A_224 = arith.constant 80 : i32
        %add3A_225 = arith.addi %mul3A_192, %add3A_224 : i32
        %get3A_226 = arith.index_cast %add3A_225 : i32 to index
        %get3A_227 = tpu.vector_load %arg5[%get3A_226] {strides = array<i32>} : memref<2048xf32, #tpu.memory_space<vmem>>, vector<16xf32>,
        %add3A_228 = vector.broadcast %add3A_193 : i32 to vector<16xi32>
        %add3A_229 = arith.addi %add3A_228, %add3A_27 : vector<16xi32>
        %add3A_230 = arith.constant 96 : i32
        %add3A_231 = arith.addi %mul3A_192, %add3A_230 : i32
        %get3A_232 = arith.index_cast %add3A_231 : i32 to index
        %get3A_233 = tpu.vector_load %arg5[%get3A_232] {strides = array<i32>} : memref<2048xf32, #tpu.memory_space<vmem>>, vector<16xf32>,
        %add3A_234 = vector.broadcast %add3A_193 : i32 to vector<16xi32>
        %add3A_235 = arith.addi %add3A_234, %add3A_30 : vector<16xi32>
        %add3A_236 = arith.constant 112 : i32
        %add3A_237 = arith.addi %mul3A_192, %add3A_236 : i32
        %get3A_238 = arith.index_cast %add3A_237 : i32 to index
        %get3A_239 = tpu.vector_load %arg5[%get3A_238] {strides = array<i32>} : memref<2048xf32, #tpu.memory_space<vmem>>, vector<16xf32>,
        %add3A_240 = vector.broadcast %add3A_193 : i32 to vector<16xi32>
        %add3A_241 = arith.addi %add3A_240, %add3A_33 : vector<16xi32>
        %gt3A_242 = arith.cmpf ogt, %get3A_203, %get3A_197 : vector<16xf32>
        %max3A_243 = arith.maximumf %get3A_197, %get3A_203 : vector<16xf32>
        %select_n3A_244 = arith.select %gt3A_242, %add3A_205, %add3A_199 : vector<16xi1>, vector<16xi32>
        %gt3A_245 = arith.cmpf ogt, %get3A_215, %get3A_209 : vector<16xf32>
        %max3A_246 = arith.maximumf %get3A_209, %get3A_215 : vector<16xf32>
        %select_n3A_247 = arith.select %gt3A_245, %add3A_217, %add3A_211 : vector<16xi1>, vector<16xi32>
        %gt3A_248 = arith.cmpf ogt, %get3A_227, %get3A_221 : vector<16xf32>
        %max3A_249 = arith.maximumf %get3A_221, %get3A_227 : vector<16xf32>
        %select_n3A_250 = arith.select %gt3A_248, %add3A_229, %add3A_223 : vector<16xi1>, vector<16xi32>
        %gt3A_251 = arith.cmpf ogt, %get3A_239, %get3A_233 : vector<16xf32>
        %max3A_252 = arith.maximumf %get3A_233, %get3A_239 : vector<16xf32>
        %select_n3A_253 = arith.select %gt3A_251, %add3A_241, %add3A_235 : vector<16xi1>, vector<16xi32>
        %gt3A_254 = arith.cmpf ogt, %max3A_246, %max3A_243 : vector<16xf32>
        %max3A_255 = arith.maximumf %max3A_243, %max3A_246 : vector<16xf32>
        %select_n3A_256 = arith.select %gt3A_254, %select_n3A_247, %select_n3A_244 : vector<16xi1>, vector<16xi32>
        %gt3A_257 = arith.cmpf ogt, %max3A_252, %max3A_249 : vector<16xf32>
        %max3A_258 = arith.maximumf %max3A_249, %max3A_252 : vector<16xf32>
        %select_n3A_259 = arith.select %gt3A_257, %select_n3A_253, %select_n3A_250 : vector<16xi1>, vector<16xi32>
        %gt3A_260 = arith.cmpf ogt, %max3A_258, %max3A_255 : vector<16xf32>
        %max3A_261 = arith.maximumf %max3A_255, %max3A_258 : vector<16xf32>
        %select_n3A_262 = arith.select %gt3A_260, %select_n3A_259, %select_n3A_256 : vector<16xi1>, vector<16xi32>
        %gt3A_263 = arith.cmpf ogt, %max3A_261, %while3A_186 : vector<16xf32>
        %max3A_264 = arith.maximumf %while3A_186, %max3A_261 : vector<16xf32>
        %select_n3A_265 = arith.select %gt3A_263, %select_n3A_262, %while3A_187 : vector<16xi1>, vector<16xi32>
        scf.yield %max3A_264, %select_n3A_265 : vector<16xf32>, vector<16xi32>
      }
      %mul3A_134 = arith.constant 8 : i32
      %mul3A_135 = arith.muli %shift_right_arithmetic3A_122, %mul3A_134 : i32
      %add3A_136 = arith.addi %add3A_117, %mul3A_135 : i32
      %while3A_137 = arith.subi %max3A_96, %add3A_136 : i32
      %while3A_138 = arith.addi %add3A_136, %while3A_137 : i32
      %while3A_139 = arith.constant 1 : i32
      %while3A_140 = arith.divsi %while3A_137, %while3A_139 : i32
      %while3A_141 = arith.muli %while3A_140, %while3A_139 : i32
      %while3A_142 = arith.addi %add3A_136, %while3A_141 : i32
      %while3A_143 = arith.constant 1 : i32
      %while3A_144:2 = scf.for %while3A_185 = %add3A_136 to %while3A_142 step %while3A_143 iter_args(%while3A_186 = %while3A_133#0, %while3A_187 = %while3A_133#1) -> (vector<16xf32>, vector<16xi32>)  : i32 {
        %mul3A_188 = arith.constant 16 : i32
        %mul3A_189 = arith.muli %while3A_185, %mul3A_188 : i32
        %get3A_190 = arith.index_cast %mul3A_189 : i32 to index
        %get3A_191 = tpu.vector_load %arg5[%get3A_190] {strides = array<i32>} : memref<2048xf32, #tpu.memory_space<vmem>>, vector<16xf32>,
        %gt3A_192 = arith.cmpf ogt, %get3A_191, %while3A_186 : vector<16xf32>
        %select_n3A_193 = arith.select %gt3A_192, %get3A_191, %while3A_186 : vector<16xi1>, vector<16xf32>
        %add3A_194 = arith.addi %mul3A_0, %mul3A_189 : i32
        %add3A_195 = vector.broadcast %add3A_194 : i32 to vector<16xi32>
        %add3A_196 = arith.addi %add3A_195, %iota3A : vector<16xi32>
        %select_n3A_197 = arith.select %gt3A_192, %add3A_196, %while3A_187 : vector<16xi1>, vector<16xi32>
        scf.yield %select_n3A_193, %select_n3A_197 : vector<16xf32>, vector<16xi32>
      }
      %while3A_145 = arith.constant 1 : i32
      %while3A_146:2 = scf.for %while3A_185 = %while3A_142 to %while3A_138 step %while3A_145 iter_args(%while3A_186 = %while3A_144#0, %while3A_187 = %while3A_144#1) -> (vector<16xf32>, vector<16xi32>)  : i32 {
        %mul3A_188 = arith.constant 16 : i32
        %mul3A_189 = arith.muli %while3A_185, %mul3A_188 : i32
        %get3A_190 = arith.index_cast %mul3A_189 : i32 to index
        %get3A_191 = tpu.vector_load %arg5[%get3A_190] {strides = array<i32>} : memref<2048xf32, #tpu.memory_space<vmem>>, vector<16xf32>,
        %gt3A_192 = arith.cmpf ogt, %get3A_191, %while3A_186 : vector<16xf32>
        %select_n3A_193 = arith.select %gt3A_192, %get3A_191, %while3A_186 : vector<16xi1>, vector<16xf32>
        %add3A_194 = arith.addi %mul3A_0, %mul3A_189 : i32
        %add3A_195 = vector.broadcast %add3A_194 : i32 to vector<16xi32>
        %add3A_196 = arith.addi %add3A_195, %iota3A : vector<16xi32>
        %select_n3A_197 = arith.select %gt3A_192, %add3A_196, %while3A_187 : vector<16xi1>, vector<16xi32>
        scf.yield %select_n3A_193, %select_n3A_197 : vector<16xf32>, vector<16xi32>
      }
      %mul3A_147 = arith.constant 16 : i32
      %mul3A_148 = arith.muli %max3A_96, %mul3A_147 : i32
      %add3A_149 = arith.addi %mul3A_0, %mul3A_148 : i32
      %add3A_150 = vector.broadcast %add3A_149 : i32 to vector<16xi32>
      %add3A_151 = arith.addi %add3A_150, %iota3A : vector<16xi32>
      %get3A_152 = arith.index_cast %mul3A_148 : i32 to index
      %get3A_153 = tpu.vector_load %arg5[%get3A_152] {strides = array<i32>} : memref<2048xf32, #tpu.memory_space<vmem>>, vector<16xf32>,
      %ge3A_154 = vector.broadcast %squeeze3A : i32 to vector<16xi32>
      %ge3A_155 = arith.cmpi sge, %add3A_151, %ge3A_154 : vector<16xi32>
      %lt3A_156 = vector.broadcast %squeeze3A_78 : i32 to vector<16xi32>
      %lt3A_157 = arith.cmpi slt, %add3A_151, %lt3A_156 : vector<16xi32>
      %and3A_158 = arith.andi %ge3A_155, %lt3A_157 : vector<16xi1>
      %jit3A_159 = arith.constant 0xFF800000 : f32
      %broadcast_in_dim3A_160 = vector.broadcast %jit3A_159 : f32 to vector<16xf32>
      %select_n3A_161 = arith.select %and3A_158, %get3A_153, %broadcast_in_dim3A_160 : vector<16xi1>, vector<16xf32>
      %gt3A_162 = arith.cmpf ogt, %select_n3A_161, %while3A_146#0 : vector<16xf32>
      %select_n3A_163 = arith.select %gt3A_162, %select_n3A_161, %while3A_146#0 : vector<16xi1>, vector<16xf32>
      %select_n3A_164 = arith.select %gt3A_162, %add3A_151, %while3A_146#1 : vector<16xi1>, vector<16xi32>
      %reduce_max3A = arith.constant true
      %reduce_max3A_165 = vector.broadcast %reduce_max3A : i1 to vector<16xi1>
      %reduce_max3A_166 = tpu.scan <max>, %select_n3A_163 masked %reduce_max3A_165 : vector<16xf32>, vector<16xi1> -> vector<16xf32>
      %reduce_max3A_167 = vector.extract %reduce_max3A_166[15] : f32 from vector<16xf32>
      %eq3A_168 = vector.broadcast %reduce_max3A_167 : f32 to vector<16xf32>
      %eq3A_169 = arith.cmpf oeq, %select_n3A_163, %eq3A_168 : vector<16xf32>
      %jit3A_170 = arith.constant 2147483647 : i32
      %broadcast_in_dim3A_171 = vector.broadcast %jit3A_170 : i32 to vector<16xi32>
      %select_n3A_172 = arith.select %eq3A_169, %select_n3A_164, %broadcast_in_dim3A_171 : vector<16xi1>, vector<16xi32>
      %reduce_min3A = arith.constant true
      %reduce_min3A_173 = vector.broadcast %reduce_min3A : i1 to vector<16xi1>
      %reduce_min3A_174 = arith.constant -2147483648 : i32
      %reduce_min3A_175 = vector.broadcast %reduce_min3A_174 : i32 to vector<16xi32>
      %reduce_min3A_176 = arith.xori %select_n3A_172, %reduce_min3A_175 : vector<16xi32>
      %reduce_min3A_177 = tpu.scan <min>, %reduce_min3A_176 masked %reduce_min3A_173 : vector<16xi32>, vector<16xi1> -> vector<16xi32>
      %reduce_min3A_178 = arith.xori %reduce_min3A_177, %reduce_min3A_175 : vector<16xi32>
      %reduce_min3A_179 = vector.extract %reduce_min3A_178[15] : i32 from vector<16xi32>
      %eq3A_180 = arith.cmpi eq, %iota3A, %broadcast_in_dim3A_74 : vector<16xi32>
      %broadcast_in_dim3A_181 = vector.broadcast %reduce_max3A_167 : f32 to vector<16xf32>
      %select_n3A_182 = arith.select %eq3A_180, %broadcast_in_dim3A_181, %while3A_72 : vector<16xi1>, vector<16xf32>
      %broadcast_in_dim3A_183 = vector.broadcast %reduce_min3A_179 : i32 to vector<16xi32>
      %select_n3A_184 = arith.select %eq3A_180, %broadcast_in_dim3A_183, %while3A_73 : vector<16xi1>, vector<16xi32>
      scf.yield %select_n3A_182, %select_n3A_184 : vector<16xf32>, vector<16xi32>
    }
    %bitcast3A = vector.bitcast %while3A_58#0 : vector<16xf32> to vector<16xi32>
    %swap3A_59 = arith.constant 0 : index
    %swap3A_60 = tpu.vector_load %arg8[%swap3A_59] {strides = array<i32>} : memref<32xi32, #tpu.memory_space<vmem>>, vector<16xi32>,
    tpu.vector_store %arg8[%swap3A_59], %bitcast3A {strides = array<i32>} : memref<32xi32, #tpu.memory_space<vmem>>, vector<16xi32>,
    %swap3A_61 = arith.constant 16 : index
    %swap3A_62 = tpu.vector_load %arg8[%swap3A_61] {strides = array<i32>} : memref<32xi32, #tpu.memory_space<vmem>>, vector<16xi32>,
    tpu.vector_store %arg8[%swap3A_61], %while3A_58#1 {strides = array<i32>} : memref<32xi32, #tpu.memory_space<vmem>>, vector<16xi32>,
    %mul3A_63 = arith.constant 2 : i32
    %mul3A_64 = arith.muli %arg1, %mul3A_63 : i32
    %mul3A_65 = arith.constant 16 : i32
    %mul3A_66 = arith.muli %mul3A_64, %mul3A_65 : i32
    "tpu.region"() ({
      %run_scoped3A = tpu.sem_alloc : memref<!tpu.dma_semaphore, #tpu.memory_space<semaphore_mem>>
      %dma_start3A_71 = tpu.memref_slice %arg9[%mul3A_66] : memref<512xi32, #tpu.memory_space<vmem_shared>> -> memref<32xi32, #tpu.memory_space<vmem_shared>>
      %dma_start3A_72 = tpu.memref_slice %arg9[%mul3A_66] : memref<512xi32, #tpu.memory_space<vmem_shared>> -> memref<32xi32, #tpu.memory_space<vmem_shared>>
      tpu.enqueue_dma source(%arg8 : memref<32xi32, #tpu.memory_space<vmem>>) target(%dma_start3A_72 : memref<32xi32, #tpu.memory_space<vmem_shared>>) target_semaphore(%run_scoped3A : memref<!tpu.dma_semaphore, #tpu.memory_space<semaphore_mem>>)
      %dma_wait3A_73 = tpu.memref_slice %arg9[%mul3A_66] : memref<512xi32, #tpu.memory_space<vmem_shared>> -> memref<32xi32, #tpu.memory_space<vmem_shared>>
      %dma_wait3A_74 = tpu.memref_slice %arg9[%mul3A_66] : memref<512xi32, #tpu.memory_space<vmem_shared>> -> memref<32xi32, #tpu.memory_space<vmem_shared>>
      tpu.wait_dma2 semaphore(%run_scoped3A : memref<!tpu.dma_semaphore, #tpu.memory_space<semaphore_mem>>) src(%arg8 : memref<32xi32, #tpu.memory_space<vmem>>) dst(%dma_wait3A_74 : memref<32xi32, #tpu.memory_space<vmem_shared>>)
      tpu.yield
    }) : () -> ()
    %barrier3A = arith.constant 0 : index
    tpu.barrier barrier_id(%barrier3A)
    %eq3A_67 = arith.constant 0 : i32
    %eq3A_68 = arith.cmpi eq, %arg1, %eq3A_67 : i32
    %convert_element_type3A_69 = arith.extui %eq3A_68 : i1 to i32
    %cond3A = arith.constant 0 : i32
    %cond3A_70 = arith.cmpi ne, %convert_element_type3A_69, %cond3A : i32
    scf.if %cond3A_70 {
      "tpu.region"() ({
        %run_scoped3A = tpu.sem_alloc : memref<!tpu.dma_semaphore, #tpu.memory_space<semaphore_mem>>
        tpu.enqueue_dma source(%arg9 : memref<512xi32, #tpu.memory_space<vmem_shared>>) target(%arg10 : memref<512xi32, #tpu.memory_space<vmem>>) target_semaphore(%run_scoped3A : memref<!tpu.dma_semaphore, #tpu.memory_space<semaphore_mem>>)
        tpu.wait_dma2 semaphore(%run_scoped3A : memref<!tpu.dma_semaphore, #tpu.memory_space<semaphore_mem>>) src(%arg9 : memref<512xi32, #tpu.memory_space<vmem_shared>>) dst(%arg10 : memref<512xi32, #tpu.memory_space<vmem>>)
        tpu.yield
      }) : () -> ()
      %get3A_71 = arith.constant 0 : index
      %get3A_72 = tpu.vector_load %arg10[%get3A_71] {strides = array<i32>} : memref<512xi32, #tpu.memory_space<vmem>>, vector<16xi32>,
      %bitcast3A_73 = vector.bitcast %get3A_72 : vector<16xi32> to vector<16xf32>
      %get3A_74 = arith.constant 16 : index
      %get3A_75 = tpu.vector_load %arg10[%get3A_74] {strides = array<i32>} : memref<512xi32, #tpu.memory_space<vmem>>, vector<16xi32>,
      %get3A_76 = arith.constant 32 : index
      %get3A_77 = tpu.vector_load %arg10[%get3A_76] {strides = array<i32>} : memref<512xi32, #tpu.memory_space<vmem>>, vector<16xi32>,
      %bitcast3A_78 = vector.bitcast %get3A_77 : vector<16xi32> to vector<16xf32>
      %get3A_79 = arith.constant 48 : index
      %get3A_80 = tpu.vector_load %arg10[%get3A_79] {strides = array<i32>} : memref<512xi32, #tpu.memory_space<vmem>>, vector<16xi32>,
      %gt3A = arith.cmpf ogt, %bitcast3A_78, %bitcast3A_73 : vector<16xf32>
      %select_n3A_81 = arith.select %gt3A, %bitcast3A_78, %bitcast3A_73 : vector<16xi1>, vector<16xf32>
      %select_n3A_82 = arith.select %gt3A, %get3A_80, %get3A_75 : vector<16xi1>, vector<16xi32>
      %get3A_83 = arith.constant 64 : index
      %get3A_84 = tpu.vector_load %arg10[%get3A_83] {strides = array<i32>} : memref<512xi32, #tpu.memory_space<vmem>>, vector<16xi32>,
      %bitcast3A_85 = vector.bitcast %get3A_84 : vector<16xi32> to vector<16xf32>
      %get3A_86 = arith.constant 80 : index
      %get3A_87 = tpu.vector_load %arg10[%get3A_86] {strides = array<i32>} : memref<512xi32, #tpu.memory_space<vmem>>, vector<16xi32>,
      %gt3A_88 = arith.cmpf ogt, %bitcast3A_85, %select_n3A_81 : vector<16xf32>
      %select_n3A_89 = arith.select %gt3A_88, %bitcast3A_85, %select_n3A_81 : vector<16xi1>, vector<16xf32>
      %select_n3A_90 = arith.select %gt3A_88, %get3A_87, %select_n3A_82 : vector<16xi1>, vector<16xi32>
      %get3A_91 = arith.constant 96 : index
      %get3A_92 = tpu.vector_load %arg10[%get3A_91] {strides = array<i32>} : memref<512xi32, #tpu.memory_space<vmem>>, vector<16xi32>,
      %bitcast3A_93 = vector.bitcast %get3A_92 : vector<16xi32> to vector<16xf32>
      %get3A_94 = arith.constant 112 : index
      %get3A_95 = tpu.vector_load %arg10[%get3A_94] {strides = array<i32>} : memref<512xi32, #tpu.memory_space<vmem>>, vector<16xi32>,
      %gt3A_96 = arith.cmpf ogt, %bitcast3A_93, %select_n3A_89 : vector<16xf32>
      %select_n3A_97 = arith.select %gt3A_96, %bitcast3A_93, %select_n3A_89 : vector<16xi1>, vector<16xf32>
      %select_n3A_98 = arith.select %gt3A_96, %get3A_95, %select_n3A_90 : vector<16xi1>, vector<16xi32>
      %get3A_99 = arith.constant 128 : index
      %get3A_100 = tpu.vector_load %arg10[%get3A_99] {strides = array<i32>} : memref<512xi32, #tpu.memory_space<vmem>>, vector<16xi32>,
      %bitcast3A_101 = vector.bitcast %get3A_100 : vector<16xi32> to vector<16xf32>
      %get3A_102 = arith.constant 144 : index
      %get3A_103 = tpu.vector_load %arg10[%get3A_102] {strides = array<i32>} : memref<512xi32, #tpu.memory_space<vmem>>, vector<16xi32>,
      %gt3A_104 = arith.cmpf ogt, %bitcast3A_101, %select_n3A_97 : vector<16xf32>
      %select_n3A_105 = arith.select %gt3A_104, %bitcast3A_101, %select_n3A_97 : vector<16xi1>, vector<16xf32>
      %select_n3A_106 = arith.select %gt3A_104, %get3A_103, %select_n3A_98 : vector<16xi1>, vector<16xi32>
      %get3A_107 = arith.constant 160 : index
      %get3A_108 = tpu.vector_load %arg10[%get3A_107] {strides = array<i32>} : memref<512xi32, #tpu.memory_space<vmem>>, vector<16xi32>,
      %bitcast3A_109 = vector.bitcast %get3A_108 : vector<16xi32> to vector<16xf32>
      %get3A_110 = arith.constant 176 : index
      %get3A_111 = tpu.vector_load %arg10[%get3A_110] {strides = array<i32>} : memref<512xi32, #tpu.memory_space<vmem>>, vector<16xi32>,
      %gt3A_112 = arith.cmpf ogt, %bitcast3A_109, %select_n3A_105 : vector<16xf32>
      %select_n3A_113 = arith.select %gt3A_112, %bitcast3A_109, %select_n3A_105 : vector<16xi1>, vector<16xf32>
      %select_n3A_114 = arith.select %gt3A_112, %get3A_111, %select_n3A_106 : vector<16xi1>, vector<16xi32>
      %get3A_115 = arith.constant 192 : index
      %get3A_116 = tpu.vector_load %arg10[%get3A_115] {strides = array<i32>} : memref<512xi32, #tpu.memory_space<vmem>>, vector<16xi32>,
      %bitcast3A_117 = vector.bitcast %get3A_116 : vector<16xi32> to vector<16xf32>
      %get3A_118 = arith.constant 208 : index
      %get3A_119 = tpu.vector_load %arg10[%get3A_118] {strides = array<i32>} : memref<512xi32, #tpu.memory_space<vmem>>, vector<16xi32>,
      %gt3A_120 = arith.cmpf ogt, %bitcast3A_117, %select_n3A_113 : vector<16xf32>
      %select_n3A_121 = arith.select %gt3A_120, %bitcast3A_117, %select_n3A_113 : vector<16xi1>, vector<16xf32>
      %select_n3A_122 = arith.select %gt3A_120, %get3A_119, %select_n3A_114 : vector<16xi1>, vector<16xi32>
      %get3A_123 = arith.constant 224 : index
      %get3A_124 = tpu.vector_load %arg10[%get3A_123] {strides = array<i32>} : memref<512xi32, #tpu.memory_space<vmem>>, vector<16xi32>,
      %bitcast3A_125 = vector.bitcast %get3A_124 : vector<16xi32> to vector<16xf32>
      %get3A_126 = arith.constant 240 : index
      %get3A_127 = tpu.vector_load %arg10[%get3A_126] {strides = array<i32>} : memref<512xi32, #tpu.memory_space<vmem>>, vector<16xi32>,
      %gt3A_128 = arith.cmpf ogt, %bitcast3A_125, %select_n3A_121 : vector<16xf32>
      %select_n3A_129 = arith.select %gt3A_128, %bitcast3A_125, %select_n3A_121 : vector<16xi1>, vector<16xf32>
      %select_n3A_130 = arith.select %gt3A_128, %get3A_127, %select_n3A_122 : vector<16xi1>, vector<16xi32>
      %get3A_131 = arith.constant 256 : index
      %get3A_132 = tpu.vector_load %arg10[%get3A_131] {strides = array<i32>} : memref<512xi32, #tpu.memory_space<vmem>>, vector<16xi32>,
      %bitcast3A_133 = vector.bitcast %get3A_132 : vector<16xi32> to vector<16xf32>
      %get3A_134 = arith.constant 272 : index
      %get3A_135 = tpu.vector_load %arg10[%get3A_134] {strides = array<i32>} : memref<512xi32, #tpu.memory_space<vmem>>, vector<16xi32>,
      %gt3A_136 = arith.cmpf ogt, %bitcast3A_133, %select_n3A_129 : vector<16xf32>
      %select_n3A_137 = arith.select %gt3A_136, %bitcast3A_133, %select_n3A_129 : vector<16xi1>, vector<16xf32>
      %select_n3A_138 = arith.select %gt3A_136, %get3A_135, %select_n3A_130 : vector<16xi1>, vector<16xi32>
      %get3A_139 = arith.constant 288 : index
      %get3A_140 = tpu.vector_load %arg10[%get3A_139] {strides = array<i32>} : memref<512xi32, #tpu.memory_space<vmem>>, vector<16xi32>,
      %bitcast3A_141 = vector.bitcast %get3A_140 : vector<16xi32> to vector<16xf32>
      %get3A_142 = arith.constant 304 : index
      %get3A_143 = tpu.vector_load %arg10[%get3A_142] {strides = array<i32>} : memref<512xi32, #tpu.memory_space<vmem>>, vector<16xi32>,
      %gt3A_144 = arith.cmpf ogt, %bitcast3A_141, %select_n3A_137 : vector<16xf32>
      %select_n3A_145 = arith.select %gt3A_144, %bitcast3A_141, %select_n3A_137 : vector<16xi1>, vector<16xf32>
      %select_n3A_146 = arith.select %gt3A_144, %get3A_143, %select_n3A_138 : vector<16xi1>, vector<16xi32>
      %get3A_147 = arith.constant 320 : index
      %get3A_148 = tpu.vector_load %arg10[%get3A_147] {strides = array<i32>} : memref<512xi32, #tpu.memory_space<vmem>>, vector<16xi32>,
      %bitcast3A_149 = vector.bitcast %get3A_148 : vector<16xi32> to vector<16xf32>
      %get3A_150 = arith.constant 336 : index
      %get3A_151 = tpu.vector_load %arg10[%get3A_150] {strides = array<i32>} : memref<512xi32, #tpu.memory_space<vmem>>, vector<16xi32>,
      %gt3A_152 = arith.cmpf ogt, %bitcast3A_149, %select_n3A_145 : vector<16xf32>
      %select_n3A_153 = arith.select %gt3A_152, %bitcast3A_149, %select_n3A_145 : vector<16xi1>, vector<16xf32>
      %select_n3A_154 = arith.select %gt3A_152, %get3A_151, %select_n3A_146 : vector<16xi1>, vector<16xi32>
      %get3A_155 = arith.constant 352 : index
      %get3A_156 = tpu.vector_load %arg10[%get3A_155] {strides = array<i32>} : memref<512xi32, #tpu.memory_space<vmem>>, vector<16xi32>,
      %bitcast3A_157 = vector.bitcast %get3A_156 : vector<16xi32> to vector<16xf32>
      %get3A_158 = arith.constant 368 : index
      %get3A_159 = tpu.vector_load %arg10[%get3A_158] {strides = array<i32>} : memref<512xi32, #tpu.memory_space<vmem>>, vector<16xi32>,
      %gt3A_160 = arith.cmpf ogt, %bitcast3A_157, %select_n3A_153 : vector<16xf32>
      %select_n3A_161 = arith.select %gt3A_160, %bitcast3A_157, %select_n3A_153 : vector<16xi1>, vector<16xf32>
      %select_n3A_162 = arith.select %gt3A_160, %get3A_159, %select_n3A_154 : vector<16xi1>, vector<16xi32>
      %get3A_163 = arith.constant 384 : index
      %get3A_164 = tpu.vector_load %arg10[%get3A_163] {strides = array<i32>} : memref<512xi32, #tpu.memory_space<vmem>>, vector<16xi32>,
      %bitcast3A_165 = vector.bitcast %get3A_164 : vector<16xi32> to vector<16xf32>
      %get3A_166 = arith.constant 400 : index
      %get3A_167 = tpu.vector_load %arg10[%get3A_166] {strides = array<i32>} : memref<512xi32, #tpu.memory_space<vmem>>, vector<16xi32>,
      %gt3A_168 = arith.cmpf ogt, %bitcast3A_165, %select_n3A_161 : vector<16xf32>
      %select_n3A_169 = arith.select %gt3A_168, %bitcast3A_165, %select_n3A_161 : vector<16xi1>, vector<16xf32>
      %select_n3A_170 = arith.select %gt3A_168, %get3A_167, %select_n3A_162 : vector<16xi1>, vector<16xi32>
      %get3A_171 = arith.constant 416 : index
      %get3A_172 = tpu.vector_load %arg10[%get3A_171] {strides = array<i32>} : memref<512xi32, #tpu.memory_space<vmem>>, vector<16xi32>,
      %bitcast3A_173 = vector.bitcast %get3A_172 : vector<16xi32> to vector<16xf32>
      %get3A_174 = arith.constant 432 : index
      %get3A_175 = tpu.vector_load %arg10[%get3A_174] {strides = array<i32>} : memref<512xi32, #tpu.memory_space<vmem>>, vector<16xi32>,
      %gt3A_176 = arith.cmpf ogt, %bitcast3A_173, %select_n3A_169 : vector<16xf32>
      %select_n3A_177 = arith.select %gt3A_176, %bitcast3A_173, %select_n3A_169 : vector<16xi1>, vector<16xf32>
      %select_n3A_178 = arith.select %gt3A_176, %get3A_175, %select_n3A_170 : vector<16xi1>, vector<16xi32>
      %get3A_179 = arith.constant 448 : index
      %get3A_180 = tpu.vector_load %arg10[%get3A_179] {strides = array<i32>} : memref<512xi32, #tpu.memory_space<vmem>>, vector<16xi32>,
      %bitcast3A_181 = vector.bitcast %get3A_180 : vector<16xi32> to vector<16xf32>
      %get3A_182 = arith.constant 464 : index
      %get3A_183 = tpu.vector_load %arg10[%get3A_182] {strides = array<i32>} : memref<512xi32, #tpu.memory_space<vmem>>, vector<16xi32>,
      %gt3A_184 = arith.cmpf ogt, %bitcast3A_181, %select_n3A_177 : vector<16xf32>
      %select_n3A_185 = arith.select %gt3A_184, %bitcast3A_181, %select_n3A_177 : vector<16xi1>, vector<16xf32>
      %select_n3A_186 = arith.select %gt3A_184, %get3A_183, %select_n3A_178 : vector<16xi1>, vector<16xi32>
      %get3A_187 = arith.constant 480 : index
      %get3A_188 = tpu.vector_load %arg10[%get3A_187] {strides = array<i32>} : memref<512xi32, #tpu.memory_space<vmem>>, vector<16xi32>,
      %bitcast3A_189 = vector.bitcast %get3A_188 : vector<16xi32> to vector<16xf32>
      %get3A_190 = arith.constant 496 : index
      %get3A_191 = tpu.vector_load %arg10[%get3A_190] {strides = array<i32>} : memref<512xi32, #tpu.memory_space<vmem>>, vector<16xi32>,
      %gt3A_192 = arith.cmpf ogt, %bitcast3A_189, %select_n3A_185 : vector<16xf32>
      %select_n3A_193 = arith.select %gt3A_192, %bitcast3A_189, %select_n3A_185 : vector<16xi1>, vector<16xf32>
      %select_n3A_194 = arith.select %gt3A_192, %get3A_191, %select_n3A_186 : vector<16xi1>, vector<16xi32>
      %gt3A_195 = arith.cmpi sgt, %get3A_3, %select_n3A : vector<16xi32>
      %jit3A_196 = arith.constant 2147483647 : i32
      %broadcast_in_dim3A_197 = vector.broadcast %jit3A_196 : i32 to vector<16xi32>
      %select_n3A_198 = arith.select %gt3A_195, %select_n3A_194, %broadcast_in_dim3A_197 : vector<16xi1>, vector<16xi32>
      %swap3A_199 = arith.constant 0 : index
      %swap3A_200 = tpu.vector_load %arg11[%swap3A_199] {strides = array<i32>} : memref<16xi32, #tpu.memory_space<vmem>>, vector<16xi32>,
      tpu.vector_store %arg11[%swap3A_199], %select_n3A_198 {strides = array<i32>} : memref<16xi32, #tpu.memory_space<vmem>>, vector<16xi32>,
      "tpu.region"() ({
        %run_scoped3A = tpu.sem_alloc : memref<!tpu.dma_semaphore, #tpu.memory_space<semaphore_mem>>
        tpu.enqueue_dma source(%arg11 : memref<16xi32, #tpu.memory_space<vmem>>) target(%arg4 : memref<16xi32, #tpu.memory_space<hbm>>) target_semaphore(%run_scoped3A : memref<!tpu.dma_semaphore, #tpu.memory_space<semaphore_mem>>)
        tpu.wait_dma2 semaphore(%run_scoped3A : memref<!tpu.dma_semaphore, #tpu.memory_space<semaphore_mem>>) src(%arg11 : memref<16xi32, #tpu.memory_space<vmem>>) dst(%arg4 : memref<16xi32, #tpu.memory_space<hbm>>)
        tpu.yield
      }) : () -> ()
    } else {
    }
    return
  }
}

</mosaic_0001>

<sc_bundles>
// kernel: kernel.3.cloned.1.call-start
scs
__scs_entry_jumppad:
0x0: {  	(pc) =	sbr.rel $0x88, $3  }
0x1: {  	(tag) =	ssettag $0x0;
	lr =	simm.s32 $0x1  }
0x2: {  	[smem:$0x3F9F] =	sst lr;
	_ =	strace $0xD0000000  }
0x3: {  	_ = 	snop  }
0x4: {  	_ = 	snop  }
0x5: {  	_ = 	snop  }
0x6: {  	_ = 	snop  }
0x7: {  	_ = 	snop  }
__scs_overlays_trampoline_lowered:
0x8: {  	[smem:$0x3FAE] =	sst s0  }
0x9: {  	[smem:$0x3FAF] =	sst s1  }
0xa: {  	[smem:$0x3FB0] =	sst s2  }
0xb: {  	[smem:$0x3FB1] =	sst s3  }
0xc: {  	[smem:$0x3FB2] =	sst s4  }
0xd: {  	[smem:$0x3FB3] =	sst s5  }
0xe: {  	[smem:$0x3FB4] =	sst s6  }
0xf: {  	[smem:$0x3FB5] =	sst s7  }
0x10: {  	[smem:$0x3FB6] =	sst s8  }
0x11: {  	[smem:$0x3FB7] =	sst s9;
	s0 =	simm.s32 @!p0 $0x0  }
0x12: {  	s1 =	sld [smem:$0x3F9D];
	s0 =	simm.s32 @p0 $0x1  }
0x13: {  	[smem:$0x3FB8] =	sst s0;
	s0 =	simm.s32 @!p1 $0x0  }
0x14: {  	s2 =	sld [smem:$0x3F9C];
	s0 =	simm.s32 @p1 $0x1  }
0x15: {  	[smem:$0x3FB9] =	sst s0;
	s0 =	simm.s32 @!p2 $0x0  }
0x16: {  	s3 =	sld [smem:$0x3FDB];
	s0 =	simm.s32 @p2 $0x1  }
0x17: {  	s4 =	simm.s32 $0x1BF5;
	[smem:$0x3FBB] =	sst s0  }
0x18: {  	s0 =	sld [smem:$0x3F9E];
	_ =	swait.ge [sflag:s4], $0x0  }
0x19: {  	s7 =	sld [smem:$0x3F9F]  }
0x1a: {  	s8 =	sadd.s32 $0xFFFFE003, lr  }
0x1b: {  	s9 =	sadd.s32 $0xFFFFFEF7, lr;
	s5 =	simm.s32 $0xFFFFFFFF;
	p2 =	slt.u32 s8, $0xFFFFF086  }
0x1c: {  	p1 =	slt.u32 s9, $0xF7A;
	s5 =	simm.s32 @!p2 $0x0  }
0x1d: {  	s5 =	simm.s32 @p1 $0x1;
	p0 =	seq.s32 s7, s2  }
0x1e: {  	s7 =	smul.u32 @!p0 $0xF7A, s2;
	p2 =	seq.s32 @!p0 s5, $0x0  }
0x1f: {  	s9 =	smul.u32 $0xF7A, s1;
	s8 =	simm.s32 @!p0 $0x1BF5;
	p2 =	por !p2, p0  }
0x20: {  	[sflag:s8] =	ssyncset.s32 @!p0 $0xFFFFF086;
	s6 =	sadd.s32 @!p0 s3, s7;
	s7 =	simm.s32 @!p0 $0x108  }
0x21: {  	s3 =	sadd.s32 s3, s9;
	s6 =	sadd.s32 @!p0 $0x88, s6;
	s7 =	simm.s32 @p2 $0x1082  }
0x22: {  	[simem:s7], [sflag:s8] =	dma.local @!p0 [hbm:s6], $0xF7A  }
0x23: {  	s9 =	sor.u32 $0xD0000000, s2;
	s6 =	simm.s32 $0x108;
	_ =	swait.ge @!p0 [sflag:s8], $0x0  }
0x24: {  	s3 =	sadd.s32 $0x88, s3;
	s6 =	simm.s32 @!p1 $0x1082;
	[sflag:s4] =	ssyncset.s32 $0xFFFFF086  }
0x25: {  	[simem:s6], [sflag:s4] =	dma.local [hbm:s3], $0xF7A  }
0x26: {  	[smem:$0x3F9F] =	sst s1;
	(tag) =	ssettag s2;
	_ =	strace s9  }
0x27: {  	s1 =	sld [smem:$0x3FAF]  }
0x28: {  	s2 =	sld [smem:$0x3FB0]  }
0x29: {  	s4 =	sld [smem:$0x3FB2]  }
0x2a: {  	p0 =	seq.s32 s5, $0x0;
	s5 =	sld [smem:$0x3FB3]  }
0x2b: {  	s6 =	sld [smem:$0x3FB4]  }
0x2c: {  	s7 =	sld [smem:$0x3FB5]  }
0x2d: {  	s3 =	simm.s32 $0x108;
	s8 =	sld [smem:$0x3FB6]  }
0x2e: {  	s3 =	simm.s32 @!p0 $0x1082;
	s9 =	sld [smem:$0x3FB7]  }
0x2f: {  	lr =	sadd.s32 s0, s3;
	s0 =	sld [smem:$0x3FAE]  }
0x30: {  	s3 =	sld [smem:$0x3FB1]  }
0x31: {  	[smem:$0x3FBA] =	sst s10  }
0x32: {  	s10 =	sld [smem:$0x3FB8];
	_ =	sdelay $0x3  }
0x33: {  	p0 =	seq.s32 s10, $0x1;
	s10 =	sld [smem:$0x3FBA];
	_ =	sdelay $0x3  }
0x34: {  	[smem:$0x3FBA] =	sst s10  }
0x35: {  	s10 =	sld [smem:$0x3FB9];
	_ =	sdelay $0x3  }
0x36: {  	p1 =	seq.s32 s10, $0x1;
	s10 =	sld [smem:$0x3FBA];
	_ =	sdelay $0x3  }
0x37: {  	[smem:$0x3FBA] =	sst s10  }
0x38: {  	s10 =	sld [smem:$0x3FBB]  }
0x39: {  	_ = 	snop;
	(pc) =	sbr.ind lr, $3  }
0x3a: {  	_ = 	snop  }
0x3b: {  	_ = 	snop  }
0x3c: {  	p2 =	seq.s32 s10, $0x1;
	s10 =	sld [smem:$0x3FBA]  }
0x3d: {  	_ =	shalt  }
0x3e: {  	_ =	shalt  }
0x3f: {  	_ =	shalt  }
0x40: {  	_ =	shalt  }
0x41: {  	_ =	shalt  }
0x42: {  	_ =	shalt  }
0x43: {  	_ =	shalt  }
0x44: {  	_ =	shalt  }
0x45: {  	_ =	shalt  }
0x46: {  	_ =	shalt  }
0x47: {  	_ =	shalt  }
0x48: {  	_ =	shalt  }
0x49: {  	_ =	shalt  }
0x4a: {  	_ =	shalt  }
0x4b: {  	_ =	shalt  }
0x4c: {  	_ =	shalt  }
0x4d: {  	_ =	shalt  }
0x4e: {  	_ =	shalt  }
0x4f: {  	_ =	shalt  }
0x50: {  	_ =	shalt  }
0x51: {  	_ =	shalt  }
0x52: {  	_ =	shalt  }
0x53: {  	_ =	shalt  }
0x54: {  	_ =	shalt  }
0x55: {  	_ =	shalt  }
0x56: {  	_ =	shalt  }
0x57: {  	_ =	shalt  }
0x58: {  	_ =	shalt  }
0x59: {  	_ =	shalt  }
0x5a: {  	_ =	shalt  }
0x5b: {  	_ =	shalt  }
0x5c: {  	_ =	shalt  }
0x5d: {  	_ =	shalt  }
0x5e: {  	_ =	shalt  }
0x5f: {  	_ =	shalt  }
0x60: {  	_ =	shalt  }
0x61: {  	_ =	shalt  }
0x62: {  	_ =	shalt  }
0x63: {  	_ =	shalt  }
0x64: {  	_ =	shalt  }
0x65: {  	_ =	shalt  }
0x66: {  	_ =	shalt  }
0x67: {  	_ =	shalt  }
0x68: {  	_ =	shalt  }
0x69: {  	_ =	shalt  }
0x6a: {  	_ =	shalt  }
0x6b: {  	_ =	shalt  }
0x6c: {  	_ =	shalt  }
0x6d: {  	_ =	shalt  }
0x6e: {  	_ =	shalt  }
0x6f: {  	_ =	shalt  }
0x70: {  	_ =	shalt  }
0x71: {  	_ =	shalt  }
0x72: {  	_ =	shalt  }
0x73: {  	_ =	shalt  }
0x74: {  	_ =	shalt  }
0x75: {  	_ =	shalt  }
0x76: {  	_ =	shalt  }
0x77: {  	_ =	shalt  }
0x78: {  	_ =	shalt  }
0x79: {  	_ =	shalt  }
0x7a: {  	_ =	shalt  }
0x7b: {  	_ =	shalt  }
0x7c: {  	_ =	shalt  }
0x7d: {  	_ =	shalt  }
0x7e: {  	_ =	shalt  }
0x7f: {  	_ =	shalt  }
0x80: {  	_ =	shalt  }
0x81: {  	_ =	shalt  }
0x82: {  	_ =	shalt  }
0x83: {  	_ =	shalt  }
0x84: {  	_ =	shalt  }
0x85: {  	_ =	shalt  }
0x86: {  	_ =	shalt  }
0x87: {  	_ =	shalt  }
.Lfunc_end0:
.L_simem_size_0:
called_computation_lowered:
.L_overlay_start_0:
0x88: {  	s0 =	sld [smem:$0x3FD9]  }
0x89: {  	s1 =	sld [smem:$0x3FFE];
	_ =	sdelay $0x3  }
0x8a: {  	s0 =	sadd.s32 s1, s0  }
0x8b: {  	[smem:$0x3FC6] =	sst s0  }
0x8c: {  	_ = 	snop  }
0x8d: {  	s0 =	sld [smem:$0x3FC9]  }
0x8e: {  	s17 =	sld [smem:$0x3FC8]  }
0x8f: {  	s2 =	sld [smem:$0x3FD0];
	(tm) =	ssettm $0x1  }
0x90: {  	s3 =	sld [smem:$0x3FFB];
	_ =	sdelay $0x3  }
0x91: {  	_ =	strace s3  }
0x92: {  	s3 =	sld [smem:$0x3FFC];
	_ =	sdelay $0x3  }
0x93: {  	_ =	strace s3  }
0x94: {  	s3 =	sld [smem:$0x3FFD];
	_ =	sdelay $0x3  }
0x95: {  	_ =	strace s3  }
0x96: {  	_ =	strace $0x8FFFFFFF  }
0x97: {  	s18 =	sld [smem:$0x3FDB];
	_ =	sdelay $0x1  }
0x98: {  	s4 =	simm.s32 $_scs_section_size  }
0x99: {  	s5 =	simm.s32 $_size__tile_overlayer_lowered;
	s6 =	simm.s32 $_tile_overlayer_lowered  }
0x9a: {  	s21 =	simm.s32 $0x1BFF;
	s20 =	sshll.u32 s6, $0x1;
	s3 =	sadd.s32 s4, s18  }
0x9b: {  	s7 =	simm.s32 $0x0;
	s19 =	sshll.u32 s5, $0x1;
	s5 =	sadd.s32 s20, s3  }
0x9c: {  	[timem:s7], [sflag:s21] =	dma.local [hbm:s5], s19  }
0x9d: {  	_ =	swait.ge [sflag:s21], s19  }
0x9e: {  	s4 =	ssub.s32 $0x0, s19;
	[sflag:s21] =	ssyncset.done $0x0  }
0x9f: {  	[sflag:s21] =	ssyncadd.s32 s4;
	_ =	sdelay $0x1  }
0xa0: {  	s22 =	simm.s32 $0x1B8B  }
0xa1: {  	_ =	swait.ge [sflag:s22], $0x1  }
0xa2: {  	[sflag:s22] =	ssyncset.done $0x0  }
0xa3: {  	s23 =	simm.s32 $0x1B8E;
	[sflag:s22] =	ssyncadd.s32 $0xFFFFFFFF  }
0xa4: {  	s24 =	simm.s32 $execute0_lowered;
	[smem:$0x3FD2] =	sst s23  }
0xa5: {  	s4 =	sshll.u32 s24, $0x1;
	_ =	strace $0x80000046;
	[dreg:$0x1] =	wrdreg $0xFFFFFFFF  }
0xa6: {  	s25 =	simm.s32 $_size_execute0_lowered;
	s3 =	sadd.s32 s3, s4;
	[dreg:$0x0] =	wrdreg $0x0  }
0xa7: {  	s4 =	sshll.u32 s25, $0x1;
	[dreg:$0x2] =	wrdreg s3  }
0xa8: {  	[dreg:$0x3] =	wrdreg s4  }
0xa9: {  	[dreg:$0x4] =	wrdreg $0xC0  }
0xaa: {  	_ =	task [dreg:s7], $0x5FFFF  }
0xab: {  	[dreg:$0x1] =	wrdreg $0xFFFFFFFF  }
0xac: {  	[dreg:$0x0] =	wrdreg $0x60  }
0xad: {  	[dreg:$0x2] =	wrdreg s0  }
0xae: {  	[dreg:$0x3] =	wrdreg s17  }
0xaf: {  	[dreg:$0x4] =	wrdreg s2  }
0xb0: {  	[dreg:$0x5] =	wrdreg $0x9800  }
0xb1: {  	[dreg:$0x6] =	wrdreg $0x9  }
0xb2: {  	_ =	task.clear_ibuf [dreg:s7], $0x7FFFF;
	_ =	strace $0x90000046  }
0xb3: {  	s26 =	simm.s32 $0x9;
	_ =	strace $0x80000048  }
0xb4: {  	_ =	swait.ge [sflag:s26], $0x1  }
0xb5: {  	[sflag:s26] =	ssyncadd.s32 $0xFFFFFFFF  }
0xb6: {  	_ =	strace $0x90000048  }
0xb7: {  	_ =	sfence  }
0xb8: {  	s28 =	sld [smem:$0x0];
	_ =	sdelay $0x1  }
0xb9: {  	s29 =	srdreg.scid  }
0xba: {  	s30 =	sshll.u32 s29, $0xD;
	s31 =	sshrl.u32 s29, $0x2  }
0xbb: {  	s1 =	sand.u32 $0x1, s29;
	s2 =	sand.u32 $0x4000, s30;
	s0 =	sadd.s32 s31, s28  }
0xbc: {  	s1 =	sor.u32 s2, s1;
	s0 =	sshll.u32 s0, $0x11  }
0xbd: {  	s0 =	sor.u32 s0, s1  }
0xbe: {  	s0 =	sadd.s32 $0x8F2B, s0  }
0xbf: {  	[sflag:s0] =	ssyncadd.remote.s32 $0x1  }
0xc0: {  	_ =	sfence.sel $0xFFFF  }
0xc1: {  	[dreg:$0x0] =	wrdreg $0xFFFFFFFF;
	(pc) =	sbr.abs _section_cstart, $3  }
0xc2: {  	[dreg:$0x1] =	wrdreg $0xFFFFFFFF  }
0xc3: {  	_ =	task.clear_ibuf [dreg:s7], $0x2FFFF;
	_ =	strace $0x9FFFFFFF  }
0xc4: {  	(tm) =	ssettm $0x7FFFFFFF  }
0xc5: {  	_ =	shalt  }
tec
execute0_lowered:
.L_overlay_start_1:
0x0: {  	(tag) =	ssettag $0x1  }
0x1: {  	s4 =	rddreg [dreg:$0x0]  }
0x2: {  	s5 =	rddreg [dreg:$0x1]  }
0x3: {  	s1 =	rddreg [dreg:$0x2]  }
0x4: {  	s2 =	rddreg [dreg:$0x3];
	s6 =	simm.s32 $0x0;
	s3 =	stileid.u32  }
0x5: {  	v0 =	vimm.s32 $0xEDCBA987;
	[smem:$0x7FF] =	sst s6;
	s7 =	sshll.u32 s3, $0x8  }
0x6: {  	s0 =	rddreg [dreg:$0x4];
	v1 =	vimm.s32 $0x65432100;
	v0 =	vunpack.c.l.s4.s8 v0;
	_ =	strace $0x80000047;
	s4 =	sadd.s32 s4, s7  }
0x7: {  	v1 =	vunpack.c.l.s4.s8 v1;
	[tilespmem:s6], [sflag:$0x1] =	stream.linear.gather [hbm4b:s4+s6], $0x800, $0x38;
	[tilespmem:$0xC20] =	vst v63  }
0x8: {  	s29 =	simm.s32 $0x1;
	s4 =	simm.s32 $0x800;
	v0 =	vunpack.c.0.s8.s32 v0  }
0x9: {  	v1 =	vunpack.c.0.s8.s32 v1;
	[tilespmem:s4], [sflag:$0x1] =	stream.linear.gather [hbm4b:s5+s6], $0x80, $0x38;
	[tilespmem:$0xC20] =	vst v63  }
0xa: {  	v0 =	vand.u32 $0xF, v0;
	_ =	swait.ge [sflag:s29], $0x80  }
0xb: {  	v1 =	vcombine.low v1, v0;
	[sflag:s29] =	ssyncset.done $0x0  }
0xc: {  	[sflag:s29] =	ssyncadd.s32 $0xFFFFFF80  }
0xd: {  	_ =	swait.ge [sflag:s29], $0x800  }
0xe: {  	[sflag:s29] =	ssyncset.done $0x0  }
0xf: {  	[sflag:s29] =	ssyncadd.s32 $0xFFFFF800  }
0x10: {  	v0 =	vld [tilespmem:$0x800]  }
0x11: {  	v1 =	vld.idx.msk [tilespmem:v1+s4+$0x0], $0xffff;
	_ =	sdelay $0x2  }
0x12: {  	v2 =	vlaneseq.u32  }
0x13: {  	vm0 =	veq.s32 v2, $0x0;
	s5 =	sshll.u32 s3, $0xB  }
0x14: {  	v3 =	vimm.s32 $0x0;
	s30 =	sadd.s32 $0x800, s5;
	v1 =	vsel vm0, $0x0, v1;
	vm14 =	vle.s32 v0, s5  }
0x15: {  	v4 =	vsel vm14, $0x1, v3;
	vm15 =	vlt.s32 v1, s30  }
0x16: {  	(xrf0) =	vadd.scan.msk.s32 $0xffff, v4;
	v3 =	vsel vm15, $0x1, v3  }
0x17: {  	(xrf0) =	vadd.scan.msk.s32 $0xffff, v3;
	_ =	sdelay $0x4  }
0x18: {  	v3, _, _ =	vpop (xrf0)  }
0x19: {  	(v2sf) =	vpush v3, $0xF;
	v3, _, _ =	vpop (xrf0)  }
0x1a: {  	(v2sf) =	vpush v3, $0xF;
	_ =	sdelay $0xd  }
0x1b: {  	s7 =	spop (v2sf)  }
0x1c: {  	s8 =	spop (v2sf)  }
0x1d: {  	p0 =	sge.s32 s7, s8  }
.Ltmp0:
0x1e: {  	_ = 	snop;
	(pc) =	sbr.rel @p0 .LBB2_1-.Ltmp0, $3  }
0x1f: {  	_ =	sdelay $0x1  }
0x20: {  	s31 =	sshll.u32 s3, $0x5  }
0x21: {  	s6 =	sadd.s32 s31, s2;
	[tilespmem:$0x880] =	vst v1  }
.Ltmp1:
0x22: {  	(pc) =	sbr.rel .LBB2_3-.Ltmp1, $4  }
0x23: {  	_ = 	snop  }
0x24: {  	v4 =	vimm.f32 $-Inf;
	v3 =	vimm.s32 $0x7FFFFFFF;
	v5 =	vor.u32 $0x10, v2  }
0x25: {  	v6 =	vor.u32 $0x20, v2;
	v7 =	vor.u32 $0x30, v2;
	v8 =	vor.u32 $0x40, v2  }
0x26: {  	s9 =	sadd.s32 $0x10, s5;
	s10 =	simm.s32 $0x880;
	v9 =	vor.u32 $0x50, v2;
	v10 =	vor.u32 $0x60, v2;
	v11 =	vor.u32 $0x70, v2  }
.LBB2_1:
0x27: {  	v3 =	vimm.s32 $0x7FFFFFFF;
	v4 =	vimm.f32 $-Inf  }
.LBB2_18:
0x28: {  	[tilespmem:$0x900] =	vst v4  }
0x29: {  	[tilespmem:$0x910] =	vst v3;
	s4 =	simm.s32 $0x900  }
0x2a: {  	[spmem:s6] =	stream.linear.scatter [tilespmem:s4], [sflag:$0x2], $0x20, $0x38;
	[tilespmem:$0xC20] =	vst v63  }
0x2b: {  	s4 =	simm.s32 $0x2  }
0x2c: {  	_ =	swait.ge [sflag:s4], $0x20  }
0x2d: {  	[sflag:s4] =	ssyncset.done $0x0  }
0x2e: {  	[sflag:s4] =	ssyncadd.s32 $0xFFFFFFE0  }
0x2f: {  	p0 =	sne.s32 s3, $0x0;
	[bflag:$0x0] =	sbarrier.arrive $0xFFFF  }
0x30: {  	_ =	sfence.sel @p0 $0x180000  }
0x31: {  	[bflag:$0x0] =	sbarrier.arrive @p0 $0xFFFF  }
0x32: {  	_ =	strace @p0 $0x90000047  }
0x33: {  	[bflag:$0x2] =	sbarrier.arrive @p0 $0xFFFF  }
0x34: {  	_ =	shalt @p0  }
.LBB2_19:
0x35: {  	s3 =	simm.s32 $0x9A0  }
0x36: {  	[tilespmem:s3], [sflag:$0x2] =	stream.linear.gather [spmem:s2], $0x200, $0x38;
	[tilespmem:$0xC20] =	vst v63  }
0x37: {  	_ =	swait.ge [sflag:s4], $0x200  }
0x38: {  	[sflag:s4] =	ssyncset.done $0x0  }
0x39: {  	[sflag:s4] =	ssyncadd.s32 $0xFFFFFE00  }
0x3a: {  	v2 =	vld [tilespmem:$0x9A0]  }
0x3b: {  	v3 =	vld [tilespmem:$0x9B0]  }
0x3c: {  	v4 =	vld [tilespmem:$0x9C0]  }
0x3d: {  	v5 =	vld [tilespmem:$0x9D0]  }
0x3e: {  	v6 =	vld [tilespmem:$0x9E0]  }
0x3f: {  	v7 =	vld [tilespmem:$0x9F0]  }
0x40: {  	v8 =	vld [tilespmem:$0xA00]  }
0x41: {  	v9 =	vld [tilespmem:$0xA10];
	vm0 =	vgt.f32 v4, v2  }
0x42: {  	v47 =	vld [tilespmem:$0xA20];
	v2 =	vsel vm0, v4, v2  }
0x43: {  	v10 =	vld [tilespmem:$0xA30];
	vm1 =	vgt.f32 v6, v2  }
0x44: {  	v48 =	vld [tilespmem:$0xA40];
	v2 =	vsel vm1, v6, v2  }
0x45: {  	v11 =	vld [tilespmem:$0xA50];
	vm2 =	vgt.f32 v8, v2  }
0x46: {  	v49 =	vld [tilespmem:$0xA60];
	v2 =	vsel vm2, v8, v2  }
0x47: {  	v12 =	vld [tilespmem:$0xA70];
	vm3 =	vgt.f32 v47, v2  }
0x48: {  	v50 =	vld [tilespmem:$0xA80];
	v2 =	vsel vm3, v47, v2  }
0x49: {  	v13 =	vld [tilespmem:$0xA90];
	vm4 =	vgt.f32 v48, v2  }
0x4a: {  	v51 =	vld [tilespmem:$0xAA0];
	v2 =	vsel vm4, v48, v2  }
0x4b: {  	v14 =	vld [tilespmem:$0xAB0];
	vm5 =	vgt.f32 v49, v2  }
0x4c: {  	v52 =	vld [tilespmem:$0xAC0];
	v2 =	vsel vm5, v49, v2  }
0x4d: {  	v15 =	vld [tilespmem:$0xAD0];
	vm6 =	vgt.f32 v50, v2  }
0x4e: {  	v53 =	vld [tilespmem:$0xAE0];
	v2 =	vsel vm6, v50, v2  }
0x4f: {  	v16 =	vld [tilespmem:$0xAF0];
	vm7 =	vgt.f32 v51, v2  }
0x50: {  	v54 =	vld [tilespmem:$0xB00];
	v3 =	vsel vm0, v5, v3;
	v2 =	vsel vm7, v51, v2  }
0x51: {  	v55 =	vld [tilespmem:$0xB10];
	v3 =	vsel vm1, v7, v3;
	vm8 =	vgt.f32 v52, v2  }
0x52: {  	v56 =	vld [tilespmem:$0xB20];
	v3 =	vsel vm2, v9, v3;
	v2 =	vsel vm8, v52, v2  }
0x53: {  	v57 =	vld [tilespmem:$0xB30];
	v3 =	vsel vm3, v10, v3;
	vm9 =	vgt.f32 v53, v2  }
0x54: {  	v58 =	vld [tilespmem:$0xB40];
	v3 =	vsel vm4, v11, v3;
	v2 =	vsel vm9, v53, v2  }
0x55: {  	v59 =	vld [tilespmem:$0xB50];
	v3 =	vsel vm5, v12, v3;
	vm10 =	vgt.f32 v54, v2  }
0x56: {  	v60 =	vld [tilespmem:$0xB60];
	v3 =	vsel vm6, v13, v3;
	v2 =	vsel vm10, v54, v2  }
0x57: {  	v61 =	vld [tilespmem:$0xB70];
	v3 =	vsel vm7, v14, v3;
	vm11 =	vgt.f32 v56, v2  }
0x58: {  	v62 =	vld [tilespmem:$0xB80];
	v3 =	vsel vm8, v15, v3;
	v2 =	vsel vm11, v56, v2  }
0x59: {  	v63 =	vld [tilespmem:$0xB90];
	v3 =	vsel vm9, v16, v3;
	vm12 =	vgt.f32 v58, v2  }
0x5a: {  	v3 =	vsel vm10, v55, v3;
	v2 =	vsel vm12, v58, v2  }
0x5b: {  	v3 =	vsel vm11, v57, v3;
	vm13 =	vgt.f32 v60, v2  }
0x5c: {  	v3 =	vsel vm12, v59, v3;
	v2 =	vsel vm13, v60, v2  }
0x5d: {  	v3 =	vsel vm13, v61, v3;
	vm14 =	vgt.f32 v62, v2  }
0x5e: {  	vm15 =	vgt.s32 v0, v1;
	v2 =	vsel vm14, v63, v3  }
0x5f: {  	v0 =	vnsel vm15, $0x7FFFFFFF, v2  }
0x60: {  	s30 =	simm.s32 $0x0;
	s31 =	simm.s32 $0xBA0;
	[tilespmem:$0xBA0] =	vst v0  }
0x61: {  	[hbm4b:s1+s30] =	stream.linear.scatter [tilespmem:s31], [sflag:$0x2], $0x80, $0x38;
	[tilespmem:$0xC20] =	vst v63  }
0x62: {  	_ =	swait.ge [sflag:s4], $0x80  }
0x63: {  	[sflag:s4] =	ssyncset.done $0x0  }
0x64: {  	[sflag:s4] =	ssyncadd.s32 $0xFFFFFF80  }
0x65: {  	_ =	sfence.sel $0x180000  }
0x66: {  	[bflag:$0x0] =	sbarrier.arrive $0xFFFF  }
0x67: {  	_ =	strace $0x90000047  }
0x68: {  	s0 =	sadd.s32 $0x100000, s0;
	[bflag:$0x2] =	sbarrier.arrive $0xFFFF  }
0x69: {  	[sflag:s0] =	ssyncadd.tile.s32 $0x1;
	_ =	shalt  }
.LBB2_12:
0x6a: {  	v18 =	vmov v16;
	v19 =	vmov v15;
	s16 =	smov.u32 s13  }
.LBB2_16:
0x6b: {  	v21 =	vld [tilespmem:s14+$0x0];
	_ =	sdelay $0x2  }
0x6c: {  	v17 =	vsel @p0 vm0, v17, v18;
	s12 =	sadd.s32 @p0 $0x10, s16  }
0x6d: {  	v18 =	vsel @p0 vm0, v20, v19;
	v16 =	vpsel p0, v17, v16;
	s13 =	smov.u32 @p0 s12  }
0x6e: {  	v15 =	vpsel p0, v18, v15;
	v17 =	vor.u32 s13, v2;
	vm15 =	vgt.f32 v21, v16  }
0x6f: {  	v16 =	vsel vm15, v21, v16;
	v15 =	vsel vm15, v17, v15  }
.LBB2_17:
0x70: {  	s11 =	sshll.u32 s11, $0x4  }
0x71: {  	v17 =	vld [tilespmem:s11+$0x0]  }
0x72: {  	s11 =	sadd.s32 s5, s11  }
0x73: {  	v18 =	vor.u32 s11, v2  }
0x74: {  	vm0 =	vge.s32 v18, v13;
	vm1 =	vlt.s32 v18, v14  }
0x75: {  	vm0 =	vmand vm0, vm1  }
0x76: {  	v61 =	vnsel vm0, $0xFF800000, v17  }
0x77: {  	vm0 =	vgt.f32 v61, v16  }
0x78: {  	v13 =	vsel vm0, v61, v16  }
0x79: {  	(xrf0) =	vmax.scan.msk.f32 $0xffff, v13;
	_ =	sdelay $0x5  }
0x7a: {  	v62, _, _ =	vpop (xrf0)  }
0x7b: {  	v14 =	vbroadcast v62, $0xF  }
0x7c: {  	v15 =	vsel vm0, v18, v15  }
0x7d: {  	v63 =	vxor.u32 $0x80000000, v15;
	vm14 =	veq.f32 v13, v14  }
0x7e: {  	v13 =	vnsel vm14, $0xFFFFFFFF, v63  }
0x7f: {  	(xrf0) =	vmin.scan.msk.u32 $0xffff, v13;
	_ =	sdelay $0x5  }
0x80: {  	v13, _, _ =	vpop (xrf0)  }
0x81: {  	(v2sf) =	vpush v13, $0xF;
	_ =	sdelay $0xa  }
0x82: {  	s7 =	sadd.s32 $0x1, s7  }
0x83: {  	p0 =	sne.s32 s7, s8  }
.Ltmp2:
0x84: {  	_ = 	snop;
	(pc) =	sbr.rel @!p0 .LBB2_18-.Ltmp2, $4  }
0x85: {  	_ = 	snop  }
0x86: {  	s31 =	spop (v2sf)  }
0x87: {  	vm15 =	veq.s32 v12, v2;
	s11 =	sxor.u32 $0x80000000, s31  }
0x88: {  	v4 =	vsel vm15, v14, v4;
	v3 =	vsel vm15, s11, v3  }
.LBB2_3:
0x89: {  	v12 =	vmov s7;
	_ =	sdelay $0x4  }
0x8a: {  	v13 =	vld.idx.msk [tilespmem:v12+s10+$0x0], $0xffff  }
0x8b: {  	v14 =	vld.idx.msk [tilespmem:v12+s4+$0x0], $0xffff;
	_ =	sdelay $0x3  }
0x8c: {  	(v2sf) =	vpush v13, $0x0  }
0x8d: {  	(v2sf) =	vpush v14, $0x0;
	_ =	sdelay $0xd  }
0x8e: {  	s11 =	spop (v2sf)  }
0x8f: {  	s11 =	ssub.s32 s11, s5;
	s12 =	spop (v2sf)  }
0x90: {  	p0 =	sgt.s32 s11, $0x0;
	s12 =	ssub.s32 s12, s5  }
0x91: {  	s11 =	simm.s32 @!p0 $0x0;
	p0 =	sgt.s32 s12, $0x0  }
0x92: {  	s11 =	smin.u32 s11, $0x800;
	s12 =	simm.s32 @!p0 $0x0  }
0x93: {  	s11 =	sshrl.u32 s11, $0x4;
	s12 =	smin.u32 s12, $0x800  }
0x94: {  	s14 =	smin.u32 s11, $0x7F;
	s31 =	sadd.s32 $0xFFFFFFFF, s12  }
0x95: {  	s13 =	sshll.u32 s14, $0x4;
	s12 =	sshra.s32 s31, $0x4  }
0x96: {  	p0 =	sgt.s32 s12, $0x0;
	s11 =	smov.u32 s12;
	s15 =	sor.u32 s5, s13  }
0x97: {  	s11 =	simm.s32 @!p0 $0x0;
	v17 =	vor.u32 s15, v2;
	s15 =	sadd.s32 $0x1, s14  }
0x98: {  	s17 =	ssub.s32 s11, s15  }
0x99: {  	v15 =	vld [tilespmem:s13+$0x0];
	p0 =	sgt.s32 s17, $0x0  }
0x9a: {  	v13 =	vbroadcast v13, $0x0;
	v14 =	vbroadcast v14, $0x0;
	s17 =	simm.s32 @!p0 $0x0  }
0x9b: {  	s16 =	sshrl.u32 s17, $0x3  }
0x9c: {  	vm0 =	vge.s32 v17, v13;
	vm1 =	vlt.s32 v17, v14;
	p0 =	seq.s32 s16, $0x0  }
.Ltmp3:
0x9d: {  	vm0 =	vmand vm0, vm1;
	(pc) =	sbr.rel @p0 .LBB2_10-.Ltmp3, $4  }
0x9e: {  	v15 =	vnsel vm0, $0xFF800000, v15  }
0x9f: {  	vm0 =	vlt.f32 v15, $-Inf;
	vm15 =	vgt.f32 v15, $-Inf  }
0xa0: {  	vm0 =	vmor vm15, vm0  }
0xa1: {  	v16 =	vnsel vm0, $0xFF800000, v15;
	v15 =	vnsel vm0, $0x7FFFFFFF, v17  }
0xa2: {  	s18 =	sshll.u32 s15, $0x6;
	s19 =	sand.u32 $0x7, s15  }
0xa3: {  	s18 =	sand.u32 $0x3E00, s18;
	s19 =	sshll.u32 s19, $0x6  }
0xa4: {  	s18 =	sor.u32 s19, s18;
	s19 =	sadd.s32 $0x40, s13  }
0xa5: {  	v17 =	vld [tilespmem:s19+$0xFFFFFFE0]  }
0xa6: {  	v18 =	vld [tilespmem:s19+$0xFFFFFFF0]  }
0xa7: {  	p1 =	sne.s32 s16, $0x1;
	v19 =	vld [tilespmem:s19+$0x0]  }
.Ltmp4:
0xa8: {  	v20 =	vld [tilespmem:s19+$0x10];
	(pc) =	sbr.rel @!p1 .LBB2_5-.Ltmp4, $4  }
0xa9: {  	v23 =	vld [tilespmem:s19+$0x20]  }
0xaa: {  	v24 =	vld [tilespmem:s19+$0x30]  }
0xab: {  	s20 =	sshrl.u32 s18, $0x2;
	s18 =	sadd.s32 s13, s9;
	v26 =	vld [tilespmem:s19+$0x40]  }
0xac: {  	s21 =	sadd.s32 $0xFFFFFFFF, s16;
	p0 =	por $0x0, $0x0;
	v22 =	vld [tilespmem:s20+$0x0];
	v27 =	vor.u32 s18, v2;
	s20 =	sadd.s32 $0x80, s20  }
0xad: {  	_ = 	snop  }
0xae: {  	v21 =	vadd.s32 s18, v5  }
0xaf: {  	vm1 =	vgt.f32 v19, v18;
	v19 =	vmax.f32 v18, v19;
	s19 =	sadd.s32 $0x80, s19;
	vm2 =	vgt.f32 v23, v20  }
0xb0: {  	v20 =	vmax.f32 v20, v23;
	v18 =	vld [tilespmem:s19+$0xFFFFFFF0];
	vm3 =	vgt.f32 v26, v24;
	v23 =	vmax.f32 v24, v26  }
0xb1: {  	v26 =	vsel vm2, v9, v8;
	vm0 =	vgt.f32 v17, v22;
	v25 =	vmax.f32 v22, v17;
	v22 =	vld [tilespmem:s20+$0x0]  }
0xb2: {  	v17 =	vld [tilespmem:s19+$0xFFFFFFE0];
	v28 =	vsel vm3, v11, v10;
	vm13 =	vgt.f32 v23, v20;
	v24 =	vsel vm0, v21, v27  }
0xb3: {  	vm12 =	vgt.f32 v19, v25;
	v21 =	vmax.f32 v25, v19;
	v25 =	vsel vm1, v7, v6;
	v19 =	vld [tilespmem:s19+$0x0]  }
0xb4: {  	p1 =	sne.s32 s21, $0x1;
	v27 =	vmax.f32 v20, v23;
	v20 =	vld [tilespmem:s19+$0x10];
	v26 =	vsel vm13, v28, v26;
	v25 =	vadd.s32 s18, v25  }
.Ltmp5:
0xb5: {  	v23 =	vld [tilespmem:s19+$0x20];
	vm14 =	vgt.f32 v27, v21;
	v26 =	vadd.s32 s18, v26;
	v25 =	vsel vm12, v25, v24;
	(pc) =	sbr.rel @!p1 .LBB2_7-.Ltmp5, $4  }
0xb6: {  	v24 =	vld [tilespmem:s19+$0x30];
	v25 =	vsel vm14, v26, v25  }
0xb7: {  	v21 =	vmax.f32 v21, v27;
	v26 =	vld [tilespmem:s19+$0x40]  }
0xb8: {  	s18 =	sadd.s32 $0x80, s18;
	vm15 =	vgt.f32 v21, v16  }
0xb9: {  	s21 =	sadd.s32 $0xFFFFFFFF, s21;
	p0 =	por $0x1, $0x1;
	s20 =	sadd.s32 $0x80, s20;
	v27 =	vor.u32 s18, v2;
	v15 =	vsel vm15, v25, v15;
	v25 =	vmov v16  }
.LBB2_8:
0xba: {  	p1 =	sne.s32 s21, $0x1;
	v28 =	vadd.s32 s18, v5;
	vm0 =	vgt.f32 v17, v22;
	v29 =	vmax.f32 v22, v17;
	v22 =	vld [tilespmem:s20+$0x0];
	s19 =	sadd.s32 $0x80, s19  }
0xbb: {  	vm1 =	vgt.f32 v19, v18;
	v30 =	vmax.f32 v18, v19;
	vm2 =	vgt.f32 v23, v20;
	v17 =	vld [tilespmem:s19+$0xFFFFFFE0]  }
0xbc: {  	v31 =	vmax.f32 v20, v23;
	v18 =	vld [tilespmem:s19+$0xFFFFFFF0];
	vm3 =	vgt.f32 v26, v24;
	v24 =	vmax.f32 v24, v26  }
0xbd: {  	v27 =	vsel vm0, v28, v27;
	vm0 =	vgt.f32 v30, v29;
	v26 =	vmax.f32 v29, v30;
	v19 =	vld [tilespmem:s19+$0x0]  }
0xbe: {  	v28 =	vsel vm1, v7, v6;
	v29 =	vsel vm2, v9, v8;
	v30 =	vmax.f32 v31, v24;
	v20 =	vld [tilespmem:s19+$0x10]  }
.Ltmp6:
0xbf: {  	v32 =	vsel vm3, v11, v10;
	vm1 =	vgt.f32 v24, v31;
	vm2 =	vgt.f32 v30, v26;
	v23 =	vld [tilespmem:s19+$0x20];
	(pc) =	sbr.rel @p1 .LBB2_8-.Ltmp6, $4  }
0xc0: {  	v28 =	vadd.s32 s18, v28;
	v29 =	vsel vm1, v32, v29;
	v30 =	vmax.f32 v26, v30;
	v24 =	vld [tilespmem:s19+$0x30]  }
0xc1: {  	v25 =	vmax.f32 v25, v21;
	v27 =	vsel vm0, v28, v27;
	v28 =	vadd.s32 s18, v29;
	v21 =	vmovc v30;
	v26 =	vld [tilespmem:s19+$0x40]  }
0xc2: {  	s18 =	sadd.s32 $0x80, s18;
	v28 =	vsel vm2, v28, v27;
	vm0 =	vgt.f32 v21, v25  }
0xc3: {  	s20 =	sadd.s32 $0x80, s20;
	s21 =	sadd.s32 $0xFFFFFFFF, s21;
	v27 =	vor.u32 s18, v2;
	v15 =	vsel vm0, v28, v15  }
.LBB2_9:
0xc4: {  	v28 =	vadd.s32 s18, v5  }
0xc5: {  	vm0 =	vgt.f32 v17, v22;
	v17 =	vmax.f32 v22, v17;
	vm1 =	vgt.f32 v19, v18  }
0xc6: {  	v18 =	vmax.f32 v18, v19;
	vm2 =	vgt.f32 v23, v20;
	v19 =	vmax.f32 v20, v23  }
0xc7: {  	v20 =	vmax.f32 @p0 v25, v21;
	v61 =	vsel vm0, v28, v27;
	vm12 =	vgt.f32 v18, v17  }
0xc8: {  	v17 =	vmax.f32 v17, v18;
	v18 =	vsel vm1, v7, v6;
	v62 =	vsel vm2, v9, v8  }
0xc9: {  	v16 =	vpsel p0, v20, v16;
	vm3 =	vgt.f32 v26, v24;
	v60 =	vmax.f32 v24, v26  }
0xca: {  	v18 =	vadd.s32 s18, v18;
	v63 =	vsel vm3, v11, v10;
	vm13 =	vgt.f32 v60, v19  }
0xcb: {  	v24 =	vmax.f32 v19, v60;
	v18 =	vsel vm12, v18, v61;
	v19 =	vsel vm13, v63, v62  }
0xcc: {  	vm14 =	vgt.f32 v24, v17;
	v17 =	vmax.f32 v17, v24;
	v19 =	vadd.s32 s18, v19  }
0xcd: {  	vm15 =	vgt.f32 v17, v16;
	v18 =	vsel vm14, v19, v18  }
0xce: {  	v16 =	vmax.f32 v16, v17;
	v15 =	vsel vm15, v18, v15  }
.LBB2_10:
0xcf: {  	s17 =	sand.u32 $0x7FFFFFF8, s17  }
0xd0: {  	s15 =	sadd.s32 s15, s17  }
0xd1: {  	p0 =	sle.s32 s12, s15  }
.Ltmp7:
0xd2: {  	_ = 	snop;
	(pc) =	sbr.rel @p0 .LBB2_17-.Ltmp7, $1  }
0xd3: {  	_ =	sdelay $0x3  }
0xd4: {  	s15 =	sadd.s32 $0x1, s15  }
0xd5: {  	p1 =	sgt.s32 s12, s15  }
.Ltmp8:
0xd6: {  	_ = 	snop;
	(pc) =	sbr.rel @!p1 .LBB2_12-.Ltmp8, $4  }
0xd7: {  	s17 =	sshll.u32 s16, $0x9;
	s14 =	sshll.u32 s14, $0x6  }
0xd8: {  	s31 =	sshll.u32 s16, $0x7;
	s14 =	sadd.s32 s14, s17  }
0xd9: {  	s16 =	sadd.s32 s31, s9;
	s14 =	sshra.s32 s14, $0x2  }
0xda: {  	p0 =	por $0x0, $0x0;
	s13 =	sadd.s32 s13, s16;
	s14 =	sadd.s32 $0x10, s14  }
0xdb: {  	s15 =	sadd.s32 $0x1, s15  }
0xdc: {  	v17 =	vld [tilespmem:s14+$0x0];
	p1 =	sgt.s32 s12, s15  }
.Ltmp9:
0xdd: {  	_ = 	snop;
	(pc) =	sbr.rel @!p1 .LBB2_14-.Ltmp9, $2  }
0xde: {  	_ =	sdelay $0x2  }
0xdf: {  	v20 =	vor.u32 s13, v2;
	s14 =	sadd.s32 $0x10, s14;
	p0 =	por $0x1, $0x1;
	v18 =	vmovc v16;
	v19 =	vmov v15;
	s16 =	smov.u32 s13;
	vm0 =	vgt.f32 v17, v16  }
.LBB2_15:
0xe0: {  	s15 =	sadd.s32 $0x1, s15  }
0xe1: {  	v18 =	vsel vm0, v17, v18;
	v17 =	vld [tilespmem:s14+$0x0];
	v19 =	vsel vm0, v20, v19;
	s16 =	sadd.s32 $0x10, s16;
	p1 =	sgt.s32 s12, s15  }
.Ltmp10:
0xe2: {  	(pc) =	sbr.rel @p1 .LBB2_15-.Ltmp10, $2  }
0xe3: {  	_ =	sdelay $0x2  }
0xe4: {  	s14 =	sadd.s32 $0x10, s14;
	v20 =	vor.u32 s16, v2;
	vm0 =	vgt.f32 v17, v18  }
.Ltmp11:
0xe5: {  	_ = 	snop;
	(pc) =	sbr.rel .LBB2_16-.Ltmp11, $1  }
0xe6: {  	_ =	sdelay $0x3  }
.LBB2_5:
.Ltmp12:
0xe7: {  	(pc) =	sbr.rel .LBB2_9-.Ltmp12, $2  }
0xe8: {  	_ =	sdelay $0x2  }
0xe9: {  	v25 =	vmov v16  }
.LBB2_7:
.Ltmp13:
0xea: {  	(pc) =	sbr.rel .LBB2_9-.Ltmp13, $2  }
0xeb: {  	_ =	sdelay $0x2  }
0xec: {  	v25 =	vmov v16  }
.LBB2_14:
.Ltmp14:
0xed: {  	(pc) =	sbr.rel .LBB2_16-.Ltmp14, $2  }
0xee: {  	_ =	sdelay $0x2  }
0xef: {  	v18 =	vmov v16;
	v19 =	vmov v15;
	s16 =	smov.u32 s13  }
.Lfunc_end2:
_tile_overlayer_lowered:
.L_overlay_start_2:
0xf0: {  	(tag) =	ssettag $0x2  }
0xf1: {  	s0 =	rddreg [dreg:$0x0];
	s2 =	stileid.u32  }
0xf2: {  	s1 =	rddreg [dreg:$0x1];
	p0 =	sne.s32 s2, $0x0  }
0xf3: {  	s3 =	rddreg [dreg:$0x2];
	[bflag:$0x3] =	sbarrier.arrive $0xFFFF;
	s2 =	simm.s32 @!p0 $0x1C02  }
0xf4: {  	[timem:s3], [sflag:s2] =	dma.local @!p0 [hbm:s0], s1  }
0xf5: {  	s0 =	simm.s32 @!p0 $0x2  }
0xf6: {  	_ =	swait.ge @!p0 [sflag:s0], s1  }
0xf7: {  	s1 =	ssub.s32 @!p0 $0x0, s1;
	[sflag:s0] =	ssyncset.done @!p0 $0x0  }
0xf8: {  	[sflag:s0] =	ssyncadd.s32 @!p0 s1  }
0xf9: {  	[bflag:$0x3] =	sbarrier.arrive $0xFFFF  }
0xfa: {  	_ =	shalt  }

</sc_bundles>
